<compile_context>
chip_gen: v7x
topology: tpu7x:2x2x1
jax: 0.10.2.dev20260603
libtpu: 0.0.44.dev20260713+nightly
codegen_flags: <defaults>
</compile_context>

<pallas_src>
import jax
import jax.numpy as jnp
from jax import lax
from jax.experimental import pallas as pl
from jax.experimental.pallas import tpu as pltpu
from jax.experimental.pallas import tpu_sc as plsc

DIM = 1024
INTER = 1024
E = 8
K = 2
T = 2048
TK = T * K
TILE = 256
LANES = 128
GTILE = 256
MAX_TILES = 23
PAD_ROWS = MAX_TILES * GTILE


def _dot_t(a, b):
    return jax.lax.dot_general(
        a, b, (((1,), (1,)), ((), ())), preferred_element_type=jnp.float32
    )


def _router_kernel(x_ref, gw_ref, gb_ref, out_ref, cnt_ref, carry):
    t = pl.program_id(0)

    @pl.when(t == 0)
    def _():
        carry[...] = jnp.zeros_like(carry)

    x = x_ref[...]
    logits = _dot_t(x, gw_ref[...]) + gb_ref[0:1, :]
    lane = jax.lax.broadcasted_iota(jnp.int32, logits.shape, 1)
    probs = jax.nn.sigmoid(logits)
    i1 = jnp.argmax(probs, axis=-1)
    oh1 = (lane == i1[:, None]).astype(jnp.float32)
    m1 = jnp.max(probs, axis=-1, keepdims=True)
    probs2 = jnp.where(oh1 > 0, -1.0, probs)
    i2 = jnp.argmax(probs2, axis=-1)
    oh2 = (lane == i2[:, None]).astype(jnp.float32)
    m2 = jnp.max(probs2, axis=-1, keepdims=True)
    s = m1 + m2 + 1e-8
    w0 = m1 / s
    w1 = m2 / s
    ra = jax.lax.broadcasted_iota(jnp.int32, (TILE, TILE), 0)
    ca = jax.lax.broadcasted_iota(jnp.int32, (TILE, TILE), 1)
    tril = (ra > ca).astype(jnp.float32)
    pre1 = jax.lax.dot_general(
        tril, oh1, (((1,), (0,)), ((), ())), preferred_element_type=jnp.float32
    )
    pre2 = jax.lax.dot_general(
        tril, oh2, (((1,), (0,)), ((), ())), preferred_element_type=jnp.float32
    )
    c = carry[0:1, :]
    cnt1 = jnp.sum(oh1, axis=0, keepdims=True)
    rank0 = jnp.sum((pre1 + c) * oh1, axis=1, keepdims=True)
    rank1 = jnp.sum((pre2 + c + cnt1) * oh2, axis=1, keepdims=True)
    new_c = c + cnt1 + jnp.sum(oh2, axis=0, keepdims=True)
    carry[0:1, :] = new_c
    cnt_ref[...] = jnp.broadcast_to(new_c, cnt_ref.shape)
    out = (
        jnp.where(lane == 0, i1[:, None].astype(jnp.float32), 0.0)
        + jnp.where(lane == 1, i2[:, None].astype(jnp.float32), 0.0)
        + jnp.where(lane == 2, w0, 0.0)
        + jnp.where(lane == 3, w1, 0.0)
        + jnp.where(lane == 4, rank0, 0.0)
        + jnp.where(lane == 5, rank1, 0.0)
    )
    out_ref[...] = out.T


NW = 32
TPW = T // NW


def _dispatch_sc_kernel(
    xt_hbm, pos0_hbm, pos1_hbm, xs_hbm, idx0_v, idx1_v, rows_v, sem0, sem1
):
    wid = lax.axis_index("c") * 16 + lax.axis_index("s")
    base = wid * TPW
    pltpu.sync_copy(pos0_hbm.at[pl.ds(base, TPW)], idx0_v)
    pltpu.sync_copy(pos1_hbm.at[pl.ds(base, TPW)], idx1_v)
    pltpu.sync_copy(xt_hbm.at[pl.ds(base, TPW)], rows_v)
    c0 = pltpu.async_copy(rows_v, xs_hbm.at[idx0_v], sem0)
    c1 = pltpu.async_copy(rows_v, xs_hbm.at[idx1_v], sem1)
    c0.wait()
    c1.wait()


def _group_kernel(meta_ref, xs_ref, w1_ref, w3_ref, w2_ref, o_ref):
    j = pl.program_id(0)
    n_valid = meta_ref[MAX_TILES]

    @pl.when(j < n_valid)
    def _():
        x = xs_ref[...]
        h1 = _dot_t(x, w1_ref[0])
        h3 = _dot_t(x, w3_ref[0])
        h = (h1 * jax.nn.sigmoid(h1)) * h3
        o_ref[...] = _dot_t(h, w2_ref[0])


def _shared_kernel(x_ref, f1_ref, f2_ref, f3_ref, o_ref):
    x = x_ref[...]
    h1 = _dot_t(x, f1_ref[...])
    h3 = _dot_t(x, f2_ref[...])
    h = (h1 * jax.nn.sigmoid(h1)) * h3
    o_ref[...] = _dot_t(h, f3_ref[...])


def _combine_kernel(z_ref, g0_ref, g1_ref, r_ref, o_ref):
    wcols = r_ref[2:4, :].T
    o_ref[...] = (
        z_ref[...]
        + wcols[:, 0:1] * g0_ref[...]
        + wcols[:, 1:2] * g1_ref[...]
    )


def kernel(x, gate_w, gate_b, w1, w2, w3, fc1, fc2, fc3):
    orig_shape = x.shape
    xt = x.reshape(T, DIM)

    gb_2d = jnp.broadcast_to(gate_b, (8, E))

    rout, cnt = pl.pallas_call(
        _router_kernel,
        grid=(T // TILE,),
        in_specs=[
            pl.BlockSpec((TILE, DIM), lambda t: (t, 0)),
            pl.BlockSpec((E, DIM), lambda t: (0, 0)),
            pl.BlockSpec((8, E), lambda t: (0, 0)),
        ],
        out_specs=[
            pl.BlockSpec((8, TILE), lambda t: (0, t)),
            pl.BlockSpec((8, E), lambda t: (0, 0)),
        ],
        out_shape=[
            jax.ShapeDtypeStruct((8, T), jnp.float32),
            jax.ShapeDtypeStruct((8, E), jnp.float32),
        ],
        scratch_shapes=[pltpu.VMEM((8, E), jnp.float32)],
    )(xt, gate_w, gb_2d)

    idx0 = rout[0].astype(jnp.int32)
    idx1 = rout[1].astype(jnp.int32)
    counts = cnt[0, :E].astype(jnp.int32)
    padded = ((counts + GTILE - 1) // GTILE) * GTILE
    ends = jnp.cumsum(padded)
    pstart = ends - padded
    pos0 = pstart[idx0] + rout[4].astype(jnp.int32)
    pos1 = pstart[idx1] + rout[5].astype(jnp.int32)
    tile_expert = jnp.clip(
        jnp.searchsorted(ends, jnp.arange(MAX_TILES) * GTILE, side="right"),
        0,
        E - 1,
    ).astype(jnp.int32)
    n_tiles = (ends[-1] // GTILE).astype(jnp.int32)
    meta = jnp.concatenate([tile_expert, n_tiles[None]])

    xs = pl.kernel(
        _dispatch_sc_kernel,
        mesh=plsc.VectorSubcoreMesh(core_axis_name="c", subcore_axis_name="s"),
        out_type=jax.ShapeDtypeStruct((PAD_ROWS, DIM), jnp.float32),
        scratch_types=[
            pltpu.VMEM((TPW,), jnp.int32),
            pltpu.VMEM((TPW,), jnp.int32),
            pltpu.VMEM((TPW, DIM), jnp.float32),
            pltpu.SemaphoreType.DMA,
            pltpu.SemaphoreType.DMA,
        ],
    )(xt, pos0, pos1)

    eo = pl.pallas_call(
        _group_kernel,
        grid_spec=pltpu.PrefetchScalarGridSpec(
            num_scalar_prefetch=1,
            grid=(MAX_TILES,),
            in_specs=[
                pl.BlockSpec((GTILE, DIM), lambda j, te: (j, 0)),
                pl.BlockSpec((1, INTER, DIM), lambda j, te: (te[j], 0, 0)),
                pl.BlockSpec((1, INTER, DIM), lambda j, te: (te[j], 0, 0)),
                pl.BlockSpec((1, DIM, INTER), lambda j, te: (te[j], 0, 0)),
            ],
            out_specs=pl.BlockSpec((GTILE, DIM), lambda j, te: (j, 0)),
        ),
        out_shape=jax.ShapeDtypeStruct((PAD_ROWS, DIM), jnp.float32),
    )(meta, xs, w1, w3, w2)

    z = pl.pallas_call(
        _shared_kernel,
        grid=(T // TILE,),
        in_specs=[
            pl.BlockSpec((TILE, DIM), lambda t: (t, 0)),
            pl.BlockSpec((INTER, DIM), lambda t: (0, 0)),
            pl.BlockSpec((INTER, DIM), lambda t: (0, 0)),
            pl.BlockSpec((DIM, INTER), lambda t: (0, 0)),
        ],
        out_specs=pl.BlockSpec((TILE, DIM), lambda t: (t, 0)),
        out_shape=jax.ShapeDtypeStruct((T, DIM), jnp.float32),
    )(xt, fc1, fc2, fc3)

    g0 = eo[pos0]
    g1 = eo[pos1]

    out = pl.pallas_call(
        _combine_kernel,
        grid=(T // TILE,),
        in_specs=[
            pl.BlockSpec((TILE, DIM), lambda t: (t, 0)),
            pl.BlockSpec((TILE, DIM), lambda t: (t, 0)),
            pl.BlockSpec((TILE, DIM), lambda t: (t, 0)),
            pl.BlockSpec((8, TILE), lambda t: (0, t)),
        ],
        out_specs=pl.BlockSpec((TILE, DIM), lambda t: (t, 0)),
        out_shape=jax.ShapeDtypeStruct((T, DIM), jnp.float32),
    )(z, g0, g1, rout)

    return out.reshape(orig_shape)

# --- scband reference (transcript-rebuilt; emitter-appended) ---
"""Pipeline reference for scband-mo-e-28879360098375 (READ-ONLY COPY).

The authoritative reference and input builder live on the scoring server;
editing this copy changes nothing except your own understanding.
"""

import jax, jax.numpy as jnp
import numpy as np

DIM = 1024
INTER = 1024
E = 8
K = 2
SHARED_INTER = 1024  # n_shared_experts * moe_inter_dim
ROUTE_SCALE = 1.0
BATCH = 1
SEQ = 2048


def setup_inputs(seed: int = 0) -> dict:
    key = jax.random.key(seed)
    ks = jax.random.split(key, 9)
    std_d = 0.02 / np.sqrt(DIM)
    std_i = 0.02 / np.sqrt(INTER)
    std_s = 0.02 / np.sqrt(SHARED_INTER)
    x = jax.random.normal(ks[0], (BATCH, SEQ, DIM), dtype=jnp.float32)
    gate_w = jax.random.normal(ks[1], (E, DIM), dtype=jnp.float32) * std_d
    gate_b = jnp.zeros((E,), dtype=jnp.float32)
    w1 = jax.random.normal(ks[2], (E, INTER, DIM), dtype=jnp.float32) * std_d
    w2 = jax.random.normal(ks[3], (E, DIM, INTER), dtype=jnp.float32) * std_i
    w3 = jax.random.normal(ks[4], (E, INTER, DIM), dtype=jnp.float32) * std_d
    fc1 = jax.random.normal(ks[5], (SHARED_INTER, DIM), dtype=jnp.float32) * std_d
    fc2 = jax.random.normal(ks[6], (SHARED_INTER, DIM), dtype=jnp.float32) * std_d
    fc3 = jax.random.normal(ks[7], (DIM, SHARED_INTER), dtype=jnp.float32) * std_s
    return {"x": x, "gate_w": gate_w, "gate_b": gate_b, "w1": w1, "w2": w2, "w3": w3, "fc1": fc1, "fc2": fc2, "fc3": fc3}


def reference(x, gate_w, gate_b, w1, w2, w3, fc1, fc2, fc3):
    orig_shape = x.shape
    xt = x.reshape(-1, DIM)
    T = xt.shape[0]
    # router (MoE.forward applies bias to logits before sigmoid)
    logits = xt @ gate_w.T + gate_b
    probs = jax.nn.sigmoid(logits)
    w, idx = jax.lax.top_k(probs, K)
    w = w / (jnp.sum(w, axis=-1, keepdims=True) + 1e-8)
    w = w * ROUTE_SCALE
    # combine weights: [T, E], nonzero only at selected experts
    combine = jnp.zeros((T, E), dtype=jnp.float32).at[jnp.arange(T)[:, None], idx].add(w)
    # routed experts: y = sum_e combine[:, e] * Expert_e(x)
    y = jnp.zeros_like(xt)
    for e in range(E):
        h = jax.nn.silu(xt @ w1[e].T) * (xt @ w3[e].T)
        eo = h @ w2[e].T
        y = y + eo * combine[:, e:e + 1]
    # shared experts MLP: fc3(silu(fc1(x)) * fc2(x))
    z = (jax.nn.silu(xt @ fc1.T) * (xt @ fc2.T)) @ fc3.T
    out = (y + z).reshape(orig_shape)
    return out

if __name__ == "__main__":
    import jax
    _d = setup_inputs()
    print(jax.jit(kernel)(*tuple(_d.values())))

</pallas_src>

<mosaic_0001>
#map = affine_map<(d0, d1) -> (0, 0)>
#map1 = affine_map<(d0, d1) -> (0)>
module attributes {stable_mosaic.version = 14 : i64} {
  func.func @_dispatch_sc_kernel(%arg0: i32, %arg1: i32, %arg2: memref<2048x1024xf32, #tpu.memory_space<hbm>>, %arg3: memref<2048xi32, #tpu.memory_space<hbm>>, %arg4: memref<2048xi32, #tpu.memory_space<hbm>>, %arg5: memref<5888x1024xf32, #tpu.memory_space<hbm>>, %arg6: memref<64xi32, #tpu.memory_space<vmem>>, %arg7: memref<64xi32, #tpu.memory_space<vmem>>, %arg8: memref<64x1024xf32, #tpu.memory_space<vmem>>, %arg9: memref<!tpu.dma_semaphore, #tpu.memory_space<semaphore_mem>>, %arg10: memref<!tpu.dma_semaphore, #tpu.memory_space<semaphore_mem>>) attributes {dimension_semantics = [#tpu.dimension_semantics<core_parallel>, #tpu.dimension_semantics<subcore_parallel>], iteration_bounds = array<i64: 2, 16>, scalar_prefetch = 0 : i64, scratch_operands = 5 : i64, tpu.core_type = #tpu.core_type<sc_vector_subcore>, window_params = [{transform_indices = #map}, {transform_indices = #map1}, {transform_indices = #map1}, {transform_indices = #map}]} {
    %mul3A = arith.constant 16 : i32
    %mul3A_0 = arith.muli %arg0, %mul3A : i32
    %add3A = arith.addi %mul3A_0, %arg1 : i32
    %mul3A_1 = arith.constant 64 : i32
    %mul3A_2 = arith.muli %add3A, %mul3A_1 : i32
    "tpu.region"() ({
      %run_scoped3A = tpu.sem_alloc : memref<!tpu.dma_semaphore, #tpu.memory_space<semaphore_mem>>
      %dma_start3A_13 = tpu.memref_slice %arg3[%mul3A_2] : memref<2048xi32, #tpu.memory_space<hbm>> -> memref<64xi32, #tpu.memory_space<hbm>>
      %dma_start3A_14 = tpu.memref_slice %arg3[%mul3A_2] : memref<2048xi32, #tpu.memory_space<hbm>> -> memref<64xi32, #tpu.memory_space<hbm>>
      tpu.enqueue_dma source(%dma_start3A_14 : memref<64xi32, #tpu.memory_space<hbm>>) target(%arg6 : memref<64xi32, #tpu.memory_space<vmem>>) target_semaphore(%run_scoped3A : memref<!tpu.dma_semaphore, #tpu.memory_space<semaphore_mem>>)
      %dma_wait3A_15 = tpu.memref_slice %arg3[%mul3A_2] : memref<2048xi32, #tpu.memory_space<hbm>> -> memref<64xi32, #tpu.memory_space<hbm>>
      %dma_wait3A_16 = tpu.memref_slice %arg3[%mul3A_2] : memref<2048xi32, #tpu.memory_space<hbm>> -> memref<64xi32, #tpu.memory_space<hbm>>
      tpu.wait_dma2 semaphore(%run_scoped3A : memref<!tpu.dma_semaphore, #tpu.memory_space<semaphore_mem>>) src(%dma_wait3A_16 : memref<64xi32, #tpu.memory_space<hbm>>) dst(%arg6 : memref<64xi32, #tpu.memory_space<vmem>>)
      tpu.yield
    }) : () -> ()
    "tpu.region"() ({
      %run_scoped3A = tpu.sem_alloc : memref<!tpu.dma_semaphore, #tpu.memory_space<semaphore_mem>>
      %dma_start3A_13 = tpu.memref_slice %arg4[%mul3A_2] : memref<2048xi32, #tpu.memory_space<hbm>> -> memref<64xi32, #tpu.memory_space<hbm>>
      %dma_start3A_14 = tpu.memref_slice %arg4[%mul3A_2] : memref<2048xi32, #tpu.memory_space<hbm>> -> memref<64xi32, #tpu.memory_space<hbm>>
      tpu.enqueue_dma source(%dma_start3A_14 : memref<64xi32, #tpu.memory_space<hbm>>) target(%arg7 : memref<64xi32, #tpu.memory_space<vmem>>) target_semaphore(%run_scoped3A : memref<!tpu.dma_semaphore, #tpu.memory_space<semaphore_mem>>)
      %dma_wait3A_15 = tpu.memref_slice %arg4[%mul3A_2] : memref<2048xi32, #tpu.memory_space<hbm>> -> memref<64xi32, #tpu.memory_space<hbm>>
      %dma_wait3A_16 = tpu.memref_slice %arg4[%mul3A_2] : memref<2048xi32, #tpu.memory_space<hbm>> -> memref<64xi32, #tpu.memory_space<hbm>>
      tpu.wait_dma2 semaphore(%run_scoped3A : memref<!tpu.dma_semaphore, #tpu.memory_space<semaphore_mem>>) src(%dma_wait3A_16 : memref<64xi32, #tpu.memory_space<hbm>>) dst(%arg7 : memref<64xi32, #tpu.memory_space<vmem>>)
      tpu.yield
    }) : () -> ()
    "tpu.region"() ({
      %run_scoped3A = tpu.sem_alloc : memref<!tpu.dma_semaphore, #tpu.memory_space<semaphore_mem>>
      %dma_start3A_13 = arith.constant 0 : i32
      %dma_start3A_14 = tpu.memref_slice %arg2[%mul3A_2, %dma_start3A_13] : memref<2048x1024xf32, #tpu.memory_space<hbm>> -> memref<64x1024xf32, #tpu.memory_space<hbm>>
      %dma_start3A_15 = arith.constant 0 : i32
      %dma_start3A_16 = tpu.memref_slice %arg2[%mul3A_2, %dma_start3A_15] : memref<2048x1024xf32, #tpu.memory_space<hbm>> -> memref<64x1024xf32, #tpu.memory_space<hbm>>
      tpu.enqueue_dma source(%dma_start3A_16 : memref<64x1024xf32, #tpu.memory_space<hbm>>) target(%arg8 : memref<64x1024xf32, #tpu.memory_space<vmem>>) target_semaphore(%run_scoped3A : memref<!tpu.dma_semaphore, #tpu.memory_space<semaphore_mem>>)
      %dma_wait3A_17 = arith.constant 0 : i32
      %dma_wait3A_18 = tpu.memref_slice %arg2[%mul3A_2, %dma_wait3A_17] : memref<2048x1024xf32, #tpu.memory_space<hbm>> -> memref<64x1024xf32, #tpu.memory_space<hbm>>
      %dma_wait3A_19 = arith.constant 0 : i32
      %dma_wait3A_20 = tpu.memref_slice %arg2[%mul3A_2, %dma_wait3A_19] : memref<2048x1024xf32, #tpu.memory_space<hbm>> -> memref<64x1024xf32, #tpu.memory_space<hbm>>
      tpu.wait_dma2 semaphore(%run_scoped3A : memref<!tpu.dma_semaphore, #tpu.memory_space<semaphore_mem>>) src(%dma_wait3A_20 : memref<64x1024xf32, #tpu.memory_space<hbm>>) dst(%arg8 : memref<64x1024xf32, #tpu.memory_space<vmem>>)
      tpu.yield
    }) : () -> ()
    %dma_start3A = arith.constant 0 : i32
    %dma_start3A_3 = arith.constant 0 : i32
    %dma_start3A_4 = tpu.memref_slice %arg5[%dma_start3A, %dma_start3A_3] : memref<5888x1024xf32, #tpu.memory_space<hbm>> -> memref<5888x1024xf32, #tpu.memory_space<hbm>>
    tpu.enqueue_indirect_dma source(%arg8 : memref<64x1024xf32, #tpu.memory_space<vmem>>) target(%dma_start3A_4 : memref<5888x1024xf32, #tpu.memory_space<hbm>>) offsets(%arg6 : memref<64xi32, #tpu.memory_space<vmem>>) semaphore(%arg9 : memref<!tpu.dma_semaphore, #tpu.memory_space<semaphore_mem>>)
    %dma_start3A_5 = arith.constant 0 : i32
    %dma_start3A_6 = arith.constant 0 : i32
    %dma_start3A_7 = tpu.memref_slice %arg5[%dma_start3A_5, %dma_start3A_6] : memref<5888x1024xf32, #tpu.memory_space<hbm>> -> memref<5888x1024xf32, #tpu.memory_space<hbm>>
    tpu.enqueue_indirect_dma source(%arg8 : memref<64x1024xf32, #tpu.memory_space<vmem>>) target(%dma_start3A_7 : memref<5888x1024xf32, #tpu.memory_space<hbm>>) offsets(%arg7 : memref<64xi32, #tpu.memory_space<vmem>>) semaphore(%arg10 : memref<!tpu.dma_semaphore, #tpu.memory_space<semaphore_mem>>)
    %dma_wait3A = arith.constant 0 : i32
    %dma_wait3A_8 = arith.constant 0 : i32
    %dma_wait3A_9 = tpu.memref_slice %arg5[%dma_wait3A, %dma_wait3A_8] : memref<5888x1024xf32, #tpu.memory_space<hbm>> -> memref<5888x1024xf32, #tpu.memory_space<hbm>>
    tpu.wait_indirect_dma semaphore(%arg9 : memref<!tpu.dma_semaphore, #tpu.memory_space<semaphore_mem>>) src(%arg8 : memref<64x1024xf32, #tpu.memory_space<vmem>>) dst(%dma_wait3A_9 : memref<5888x1024xf32, #tpu.memory_space<hbm>>)
    %dma_wait3A_10 = arith.constant 0 : i32
    %dma_wait3A_11 = arith.constant 0 : i32
    %dma_wait3A_12 = tpu.memref_slice %arg5[%dma_wait3A_10, %dma_wait3A_11] : memref<5888x1024xf32, #tpu.memory_space<hbm>> -> memref<5888x1024xf32, #tpu.memory_space<hbm>>
    tpu.wait_indirect_dma semaphore(%arg10 : memref<!tpu.dma_semaphore, #tpu.memory_space<semaphore_mem>>) src(%arg8 : memref<64x1024xf32, #tpu.memory_space<vmem>>) dst(%dma_wait3A_12 : memref<5888x1024xf32, #tpu.memory_space<hbm>>)
    return
  }
}

module attributes {stable_mosaic.version = 14 : i64} {
  func.func @_router_kernel(%arg0: i32, %arg1: memref<256x1024xf32, #tpu.memory_space<vmem>>, %arg2: memref<8x1024xf32, #tpu.memory_space<vmem>>, %arg3: memref<8x8xf32, #tpu.memory_space<vmem>>, %arg4: memref<8x256xf32, #tpu.memory_space<vmem>>, %arg5: memref<8x8xf32, #tpu.memory_space<vmem>>, %arg6: memref<8x8xf32, #tpu.memory_space<vmem>>) attributes {dimension_semantics = [#tpu.dimension_semantics<arbitrary>], iteration_bounds = array<i64: 8>, scalar_prefetch = 0 : i64, scratch_operands = 1 : i64, tpu.core_type = #tpu.core_type<tc>, window_params = [{transform_indices = @transform_0, window_bounds = array<i64: 256, 1024>}, {pipeline_mode = #tpu.pipeline_mode<synchronous>, transform_indices = @transform_1, window_bounds = array<i64: 8, 1024>}, {pipeline_mode = #tpu.pipeline_mode<synchronous>, transform_indices = @transform_2, window_bounds = array<i64: 8, 8>}, {transform_indices = @transform_3, window_bounds = array<i64: 8, 256>}, {pipeline_mode = #tpu.pipeline_mode<synchronous>, transform_indices = @transform_4, window_bounds = array<i64: 8, 8>}]} {
    %eq3A = arith.constant 0 : i32
    %eq3A_0 = arith.cmpi eq, %arg0, %eq3A : i32
    %convert_element_type3A = arith.extui %eq3A_0 : i1 to i32
    %cond3A = arith.constant 0 : i32
    %cond3A_1 = arith.cmpi ne, %convert_element_type3A, %cond3A : i32
    scf.if %cond3A_1 {
      %broadcast_in_dim3A_139 = arith.constant 0.000000e+00 : f32
      %broadcast_in_dim3A_140 = vector.broadcast %broadcast_in_dim3A_139 : f32 to vector<8x8xf32>
      %swap3A_141 = arith.constant 0 : index
      %swap3A_142 = arith.constant 0 : index
      %swap3A_143 = vector.load %arg6[%swap3A_141, %swap3A_142] : memref<8x8xf32, #tpu.memory_space<vmem>>, vector<8x8xf32>
      tpu.vector_store %arg6[%swap3A_141, %swap3A_142], %broadcast_in_dim3A_140 {strides = array<i32>} : memref<8x8xf32, #tpu.memory_space<vmem>>, vector<8x8xf32>,
    } else {
    }
    %get3A = arith.constant 0 : index
    %get3A_2 = arith.constant 0 : index
    %get3A_3 = vector.load %arg1[%get3A, %get3A_2] : memref<256x1024xf32, #tpu.memory_space<vmem>>, vector<256x1024xf32>
    %get3A_4 = arith.constant 0 : index
    %get3A_5 = arith.constant 0 : index
    %get3A_6 = vector.load %arg2[%get3A_4, %get3A_5] : memref<8x1024xf32, #tpu.memory_space<vmem>>, vector<8x1024xf32>
    %dot_general3A = arith.constant dense<0.000000e+00> : vector<256x8xf32>
    %dot_general3A_7 = tpu.matmul %get3A_3, %get3A_6, %dot_general3A {dimension_numbers = #tpu.dot_dimension_numbers<[1], [1], [0], [0], [0, 0, 1, 0], [], []>, transpose_lhs_hint = false} : vector<256x1024xf32>, vector<8x1024xf32>, vector<256x8xf32> -> vector<256x8xf32>
    %get3A_8 = arith.constant 0 : index
    %get3A_9 = arith.constant 0 : index
    %get3A_10 = vector.load %arg3[%get3A_8, %get3A_9] : memref<8x8xf32, #tpu.memory_space<vmem>>, vector<1x8xf32>
    %add3A = vector.broadcast %get3A_10 : vector<1x8xf32> to vector<256x8xf32>
    %add3A_11 = arith.addf %dot_general3A_7, %add3A : vector<256x8xf32>
    %iota3A = tpu.iota {dimensions = array<i32: 1>} : vector<256x8xi32>
    %logistic3A = arith.negf %add3A_11 : vector<256x8xf32>
    %logistic3A_12 = math.exp %logistic3A : vector<256x8xf32>
    %logistic3A_13 = arith.constant 1.000000e+00 : f32
    %logistic3A_14 = vector.broadcast %logistic3A_13 : f32 to vector<256x8xf32>
    %logistic3A_15 = arith.addf %logistic3A_14, %logistic3A_12 : vector<256x8xf32>
    %logistic3A_16 = arith.divf %logistic3A_14, %logistic3A_15 : vector<256x8xf32>
    %argmax3A = tpu.reduce_index %logistic3A_16 {axis = 1 : i32, kind = #tpu.reduction_kind<arg_max>} : vector<256x8xf32> -> vector<256xi32>
    %broadcast_in_dim3A = vector.shape_cast %argmax3A : vector<256xi32> to vector<256x1xi32>
    %eq3A_17 = vector.broadcast %broadcast_in_dim3A : vector<256x1xi32> to vector<256x8xi32>
    %eq3A_18 = arith.cmpi eq, %iota3A, %eq3A_17 : vector<256x8xi32>
    %convert_element_type3A_19 = arith.extui %eq3A_18 : vector<256x8xi1> to vector<256x8xi32>
    %convert_element_type3A_20 = arith.sitofp %convert_element_type3A_19 : vector<256x8xi32> to vector<256x8xf32>
    %reduce_max3A = arith.constant dense<0xFF800000> : vector<256xf32>
    %reduce_max3A_21 = vector.multi_reduction <maximumf>, %logistic3A_16, %reduce_max3A [1] : vector<256x8xf32> to vector<256xf32>
    %broadcast_in_dim3A_22 = vector.shape_cast %reduce_max3A_21 : vector<256xf32> to vector<256x1xf32>
    %gt3A = arith.constant 0.000000e+00 : f32
    %gt3A_23 = vector.broadcast %gt3A : f32 to vector<256x8xf32>
    %gt3A_24 = arith.cmpf ogt, %convert_element_type3A_20, %gt3A_23 : vector<256x8xf32>
    %jit3A = arith.constant -1.000000e+00 : f32
    %broadcast_in_dim3A_25 = vector.broadcast %jit3A : f32 to vector<256x8xf32>
    %select_n3A = arith.select %gt3A_24, %broadcast_in_dim3A_25, %logistic3A_16 : vector<256x8xi1>, vector<256x8xf32>
    %argmax3A_26 = tpu.reduce_index %select_n3A {axis = 1 : i32, kind = #tpu.reduction_kind<arg_max>} : vector<256x8xf32> -> vector<256xi32>
    %broadcast_in_dim3A_27 = vector.shape_cast %argmax3A_26 : vector<256xi32> to vector<256x1xi32>
    %eq3A_28 = vector.broadcast %broadcast_in_dim3A_27 : vector<256x1xi32> to vector<256x8xi32>
    %eq3A_29 = arith.cmpi eq, %iota3A, %eq3A_28 : vector<256x8xi32>
    %convert_element_type3A_30 = arith.extui %eq3A_29 : vector<256x8xi1> to vector<256x8xi32>
    %convert_element_type3A_31 = arith.sitofp %convert_element_type3A_30 : vector<256x8xi32> to vector<256x8xf32>
    %reduce_max3A_32 = arith.constant dense<0xFF800000> : vector<256xf32>
    %reduce_max3A_33 = vector.multi_reduction <maximumf>, %select_n3A, %reduce_max3A_32 [1] : vector<256x8xf32> to vector<256xf32>
    %broadcast_in_dim3A_34 = vector.shape_cast %reduce_max3A_33 : vector<256xf32> to vector<256x1xf32>
    %add3A_35 = arith.addf %broadcast_in_dim3A_22, %broadcast_in_dim3A_34 : vector<256x1xf32>
    %add3A_36 = arith.constant 9.99999993E-9 : f32
    %add3A_37 = vector.broadcast %add3A_36 : f32 to vector<256x1xf32>
    %add3A_38 = arith.addf %add3A_35, %add3A_37 : vector<256x1xf32>
    %div3A = arith.divf %broadcast_in_dim3A_22, %add3A_38 : vector<256x1xf32>
    %div3A_39 = arith.divf %broadcast_in_dim3A_34, %add3A_38 : vector<256x1xf32>
    %iota3A_40 = tpu.iota {dimensions = array<i32: 0>} : vector<256x256xi32>
    %iota3A_41 = tpu.iota {dimensions = array<i32: 1>} : vector<256x256xi32>
    %gt3A_42 = arith.cmpi sgt, %iota3A_40, %iota3A_41 : vector<256x256xi32>
    %convert_element_type3A_43 = arith.extui %gt3A_42 : vector<256x256xi1> to vector<256x256xi32>
    %convert_element_type3A_44 = arith.sitofp %convert_element_type3A_43 : vector<256x256xi32> to vector<256x256xf32>
    %dot_general3A_45 = arith.constant dense<0.000000e+00> : vector<256x8xf32>
    %dot_general3A_46 = tpu.matmul %convert_element_type3A_44, %convert_element_type3A_20, %dot_general3A_45 {dimension_numbers = #tpu.dot_dimension_numbers<[1], [0], [0], [1], [0, 0, 1, 1], [], []>, transpose_lhs_hint = false} : vector<256x256xf32>, vector<256x8xf32>, vector<256x8xf32> -> vector<256x8xf32>
    %dot_general3A_47 = arith.constant dense<0.000000e+00> : vector<256x8xf32>
    %dot_general3A_48 = tpu.matmul %convert_element_type3A_44, %convert_element_type3A_31, %dot_general3A_47 {dimension_numbers = #tpu.dot_dimension_numbers<[1], [0], [0], [1], [0, 0, 1, 1], [], []>, transpose_lhs_hint = false} : vector<256x256xf32>, vector<256x8xf32>, vector<256x8xf32> -> vector<256x8xf32>
    %get3A_49 = arith.constant 0 : index
    %get3A_50 = arith.constant 0 : index
    %get3A_51 = vector.load %arg6[%get3A_49, %get3A_50] : memref<8x8xf32, #tpu.memory_space<vmem>>, vector<1x8xf32>
    %reduce_sum3A = arith.constant dense<0.000000e+00> : vector<8xf32>
    %reduce_sum3A_52 = vector.multi_reduction <add>, %convert_element_type3A_20, %reduce_sum3A [0] : vector<256x8xf32> to vector<8xf32>
    %broadcast_in_dim3A_53 = vector.shape_cast %reduce_sum3A_52 : vector<8xf32> to vector<1x8xf32>
    %add3A_54 = vector.broadcast %get3A_51 : vector<1x8xf32> to vector<256x8xf32>
    %add3A_55 = arith.addf %dot_general3A_46, %add3A_54 : vector<256x8xf32>
    %mul3A = arith.mulf %add3A_55, %convert_element_type3A_20 : vector<256x8xf32>
    %reduce_sum3A_56 = arith.constant dense<0.000000e+00> : vector<256xf32>
    %reduce_sum3A_57 = vector.multi_reduction <add>, %mul3A, %reduce_sum3A_56 [1] : vector<256x8xf32> to vector<256xf32>
    %broadcast_in_dim3A_58 = vector.shape_cast %reduce_sum3A_57 : vector<256xf32> to vector<256x1xf32>
    %add3A_59 = vector.broadcast %get3A_51 : vector<1x8xf32> to vector<256x8xf32>
    %add3A_60 = arith.addf %dot_general3A_48, %add3A_59 : vector<256x8xf32>
    %add3A_61 = vector.broadcast %broadcast_in_dim3A_53 : vector<1x8xf32> to vector<256x8xf32>
    %add3A_62 = arith.addf %add3A_60, %add3A_61 : vector<256x8xf32>
    %mul3A_63 = arith.mulf %add3A_62, %convert_element_type3A_31 : vector<256x8xf32>
    %reduce_sum3A_64 = arith.constant dense<0.000000e+00> : vector<256xf32>
    %reduce_sum3A_65 = vector.multi_reduction <add>, %mul3A_63, %reduce_sum3A_64 [1] : vector<256x8xf32> to vector<256xf32>
    %broadcast_in_dim3A_66 = vector.shape_cast %reduce_sum3A_65 : vector<256xf32> to vector<256x1xf32>
    %add3A_67 = arith.addf %get3A_51, %broadcast_in_dim3A_53 : vector<1x8xf32>
    %reduce_sum3A_68 = arith.constant dense<0.000000e+00> : vector<8xf32>
    %reduce_sum3A_69 = vector.multi_reduction <add>, %convert_element_type3A_31, %reduce_sum3A_68 [0] : vector<256x8xf32> to vector<8xf32>
    %broadcast_in_dim3A_70 = vector.shape_cast %reduce_sum3A_69 : vector<8xf32> to vector<1x8xf32>
    %add3A_71 = arith.addf %add3A_67, %broadcast_in_dim3A_70 : vector<1x8xf32>
    %swap3A = arith.constant 0 : index
    %swap3A_72 = arith.constant 0 : index
    %swap3A_73 = vector.load %arg6[%swap3A, %swap3A_72] : memref<8x8xf32, #tpu.memory_space<vmem>>, vector<1x8xf32>
    tpu.vector_store %arg6[%swap3A, %swap3A_72], %add3A_71 {strides = array<i32>} : memref<8x8xf32, #tpu.memory_space<vmem>>, vector<1x8xf32>,
    %broadcast_in_dim3A_74 = vector.shape_cast %add3A_71 : vector<1x8xf32> to vector<1x8xf32>
    %broadcast_in_dim3A_75 = vector.broadcast %broadcast_in_dim3A_74 : vector<1x8xf32> to vector<8x8xf32>
    %swap3A_76 = arith.constant 0 : index
    %swap3A_77 = arith.constant 0 : index
    %swap3A_78 = vector.load %arg5[%swap3A_76, %swap3A_77] : memref<8x8xf32, #tpu.memory_space<vmem>>, vector<8x8xf32>
    tpu.vector_store %arg5[%swap3A_76, %swap3A_77], %broadcast_in_dim3A_75 {strides = array<i32>} : memref<8x8xf32, #tpu.memory_space<vmem>>, vector<8x8xf32>,
    %eq3A_79 = arith.constant 0 : i32
    %eq3A_80 = vector.broadcast %eq3A_79 : i32 to vector<256x8xi32>
    %eq3A_81 = arith.cmpi eq, %iota3A, %eq3A_80 : vector<256x8xi32>
    %broadcast_in_dim3A_82 = vector.shape_cast %argmax3A : vector<256xi32> to vector<256x1xi32>
    %convert_element_type3A_83 = arith.sitofp %broadcast_in_dim3A_82 : vector<256x1xi32> to vector<256x1xf32>
    %jit3A_84 = arith.constant 0.000000e+00 : f32
    %broadcast_in_dim3A_85 = vector.shape_cast %convert_element_type3A_83 : vector<256x1xf32> to vector<256x1xf32>
    %broadcast_in_dim3A_86 = vector.broadcast %broadcast_in_dim3A_85 : vector<256x1xf32> to vector<256x8xf32>
    %broadcast_in_dim3A_87 = vector.broadcast %jit3A_84 : f32 to vector<256x8xf32>
    %select_n3A_88 = arith.select %eq3A_81, %broadcast_in_dim3A_86, %broadcast_in_dim3A_87 : vector<256x8xi1>, vector<256x8xf32>
    %eq3A_89 = arith.constant 1 : i32
    %eq3A_90 = vector.broadcast %eq3A_89 : i32 to vector<256x8xi32>
    %eq3A_91 = arith.cmpi eq, %iota3A, %eq3A_90 : vector<256x8xi32>
    %broadcast_in_dim3A_92 = vector.shape_cast %argmax3A_26 : vector<256xi32> to vector<256x1xi32>
    %convert_element_type3A_93 = arith.sitofp %broadcast_in_dim3A_92 : vector<256x1xi32> to vector<256x1xf32>
    %jit3A_94 = arith.constant 0.000000e+00 : f32
    %broadcast_in_dim3A_95 = vector.shape_cast %convert_element_type3A_93 : vector<256x1xf32> to vector<256x1xf32>
    %broadcast_in_dim3A_96 = vector.broadcast %broadcast_in_dim3A_95 : vector<256x1xf32> to vector<256x8xf32>
    %broadcast_in_dim3A_97 = vector.broadcast %jit3A_94 : f32 to vector<256x8xf32>
    %select_n3A_98 = arith.select %eq3A_91, %broadcast_in_dim3A_96, %broadcast_in_dim3A_97 : vector<256x8xi1>, vector<256x8xf32>
    %add3A_99 = arith.addf %select_n3A_88, %select_n3A_98 : vector<256x8xf32>
    %eq3A_100 = arith.constant 2 : i32
    %eq3A_101 = vector.broadcast %eq3A_100 : i32 to vector<256x8xi32>
    %eq3A_102 = arith.cmpi eq, %iota3A, %eq3A_101 : vector<256x8xi32>
    %jit3A_103 = arith.constant 0.000000e+00 : f32
    %broadcast_in_dim3A_104 = vector.shape_cast %div3A : vector<256x1xf32> to vector<256x1xf32>
    %broadcast_in_dim3A_105 = vector.broadcast %broadcast_in_dim3A_104 : vector<256x1xf32> to vector<256x8xf32>
    %broadcast_in_dim3A_106 = vector.broadcast %jit3A_103 : f32 to vector<256x8xf32>
    %select_n3A_107 = arith.select %eq3A_102, %broadcast_in_dim3A_105, %broadcast_in_dim3A_106 : vector<256x8xi1>, vector<256x8xf32>
    %add3A_108 = arith.addf %add3A_99, %select_n3A_107 : vector<256x8xf32>
    %eq3A_109 = arith.constant 3 : i32
    %eq3A_110 = vector.broadcast %eq3A_109 : i32 to vector<256x8xi32>
    %eq3A_111 = arith.cmpi eq, %iota3A, %eq3A_110 : vector<256x8xi32>
    %jit3A_112 = arith.constant 0.000000e+00 : f32
    %broadcast_in_dim3A_113 = vector.shape_cast %div3A_39 : vector<256x1xf32> to vector<256x1xf32>
    %broadcast_in_dim3A_114 = vector.broadcast %broadcast_in_dim3A_113 : vector<256x1xf32> to vector<256x8xf32>
    %broadcast_in_dim3A_115 = vector.broadcast %jit3A_112 : f32 to vector<256x8xf32>
    %select_n3A_116 = arith.select %eq3A_111, %broadcast_in_dim3A_114, %broadcast_in_dim3A_115 : vector<256x8xi1>, vector<256x8xf32>
    %add3A_117 = arith.addf %add3A_108, %select_n3A_116 : vector<256x8xf32>
    %eq3A_118 = arith.constant 4 : i32
    %eq3A_119 = vector.broadcast %eq3A_118 : i32 to vector<256x8xi32>
    %eq3A_120 = arith.cmpi eq, %iota3A, %eq3A_119 : vector<256x8xi32>
    %jit3A_121 = arith.constant 0.000000e+00 : f32
    %broadcast_in_dim3A_122 = vector.shape_cast %broadcast_in_dim3A_58 : vector<256x1xf32> to vector<256x1xf32>
    %broadcast_in_dim3A_123 = vector.broadcast %broadcast_in_dim3A_122 : vector<256x1xf32> to vector<256x8xf32>
    %broadcast_in_dim3A_124 = vector.broadcast %jit3A_121 : f32 to vector<256x8xf32>
    %select_n3A_125 = arith.select %eq3A_120, %broadcast_in_dim3A_123, %broadcast_in_dim3A_124 : vector<256x8xi1>, vector<256x8xf32>
    %add3A_126 = arith.addf %add3A_117, %select_n3A_125 : vector<256x8xf32>
    %eq3A_127 = arith.constant 5 : i32
    %eq3A_128 = vector.broadcast %eq3A_127 : i32 to vector<256x8xi32>
    %eq3A_129 = arith.cmpi eq, %iota3A, %eq3A_128 : vector<256x8xi32>
    %jit3A_130 = arith.constant 0.000000e+00 : f32
    %broadcast_in_dim3A_131 = vector.shape_cast %broadcast_in_dim3A_66 : vector<256x1xf32> to vector<256x1xf32>
    %broadcast_in_dim3A_132 = vector.broadcast %broadcast_in_dim3A_131 : vector<256x1xf32> to vector<256x8xf32>
    %broadcast_in_dim3A_133 = vector.broadcast %jit3A_130 : f32 to vector<256x8xf32>
    %select_n3A_134 = arith.select %eq3A_129, %broadcast_in_dim3A_132, %broadcast_in_dim3A_133 : vector<256x8xi1>, vector<256x8xf32>
    %add3A_135 = arith.addf %add3A_126, %select_n3A_134 : vector<256x8xf32>
    %transpose3A = tpu.transpose %add3A_135, [1, 0] : vector<256x8xf32> -> vector<8x256xf32>
    %swap3A_136 = arith.constant 0 : index
    %swap3A_137 = arith.constant 0 : index
    %swap3A_138 = vector.load %arg4[%swap3A_136, %swap3A_137] : memref<8x256xf32, #tpu.memory_space<vmem>>, vector<8x256xf32>
    tpu.vector_store %arg4[%swap3A_136, %swap3A_137], %transpose3A {strides = array<i32>} : memref<8x256xf32, #tpu.memory_space<vmem>>, vector<8x256xf32>,
    return
  }
  func.func @transform_0(%arg0: i32) -> (i32, i32) {
    %c0_i32 = arith.constant 0 : i32
    %c0_i32_0 = arith.constant 0 : i32
    return %arg0, %c0_i32 : i32, i32
  }
  func.func @transform_1(%arg0: i32) -> (i32, i32) {
    %c0_i32 = arith.constant 0 : i32
    %c0_i32_0 = arith.constant 0 : i32
    %c0_i32_1 = arith.constant 0 : i32
    return %c0_i32, %c0_i32_0 : i32, i32
  }
  func.func @transform_2(%arg0: i32) -> (i32, i32) {
    %c0_i32 = arith.constant 0 : i32
    %c0_i32_0 = arith.constant 0 : i32
    %c0_i32_1 = arith.constant 0 : i32
    return %c0_i32, %c0_i32_0 : i32, i32
  }
  func.func @transform_3(%arg0: i32) -> (i32, i32) {
    %c0_i32 = arith.constant 0 : i32
    %c0_i32_0 = arith.constant 0 : i32
    return %c0_i32, %arg0 : i32, i32
  }
  func.func @transform_4(%arg0: i32) -> (i32, i32) {
    %c0_i32 = arith.constant 0 : i32
    %c0_i32_0 = arith.constant 0 : i32
    %c0_i32_1 = arith.constant 0 : i32
    return %c0_i32, %c0_i32_0 : i32, i32
  }
}

module attributes {stable_mosaic.version = 14 : i64} {
  func.func @_group_kernel(%arg0: i32, %arg1: memref<24xi32, #tpu.memory_space<smem>>, %arg2: memref<256x1024xf32, #tpu.memory_space<vmem>>, %arg3: memref<1x1024x1024xf32, #tpu.memory_space<vmem>>, %arg4: memref<1x1024x1024xf32, #tpu.memory_space<vmem>>, %arg5: memref<1x1024x1024xf32, #tpu.memory_space<vmem>>, %arg6: memref<256x1024xf32, #tpu.memory_space<vmem>>) attributes {dimension_semantics = [#tpu.dimension_semantics<arbitrary>], iteration_bounds = array<i64: 23>, scalar_prefetch = 1 : i64, scratch_operands = 0 : i64, tpu.core_type = #tpu.core_type<tc>, window_params = [{transform_indices = @transform_0, window_bounds = array<i64: 256, 1024>}, {transform_indices = @transform_1, window_bounds = array<i64: 1, 1024, 1024>}, {transform_indices = @transform_2, window_bounds = array<i64: 1, 1024, 1024>}, {transform_indices = @transform_3, window_bounds = array<i64: 1, 1024, 1024>}, {transform_indices = @transform_4, window_bounds = array<i64: 256, 1024>}]} {
    %get3A = arith.constant 23 : index
    %get3A_0 = memref.load %arg1[%get3A] : memref<24xi32, #tpu.memory_space<smem>>
    %lt3A = arith.cmpi slt, %arg0, %get3A_0 : i32
    %convert_element_type3A = arith.extui %lt3A : i1 to i32
    %cond3A = arith.constant 0 : i32
    %cond3A_1 = arith.cmpi ne, %convert_element_type3A, %cond3A : i32
    scf.if %cond3A_1 {
      %get3A_2 = arith.constant 0 : index
      %get3A_3 = arith.constant 0 : index
      %get3A_4 = vector.load %arg2[%get3A_2, %get3A_3] : memref<256x1024xf32, #tpu.memory_space<vmem>>, vector<256x1024xf32>
      %get3A_5 = arith.constant 0 : index
      %get3A_6 = arith.constant 0 : index
      %get3A_7 = arith.constant 0 : index
      %get3A_8 = vector.load %arg3[%get3A_5, %get3A_6, %get3A_7] : memref<1x1024x1024xf32, #tpu.memory_space<vmem>>, vector<1x1024x1024xf32>
      %get3A_9 = vector.shape_cast %get3A_8 : vector<1x1024x1024xf32> to vector<1024x1024xf32>
      %dot_general3A = arith.constant dense<0.000000e+00> : vector<256x1024xf32>
      %dot_general3A_10 = tpu.matmul %get3A_4, %get3A_9, %dot_general3A {dimension_numbers = #tpu.dot_dimension_numbers<[1], [1], [0], [0], [0, 0, 1, 0], [], []>, transpose_lhs_hint = false} : vector<256x1024xf32>, vector<1024x1024xf32>, vector<256x1024xf32> -> vector<256x1024xf32>
      %get3A_11 = arith.constant 0 : index
      %get3A_12 = arith.constant 0 : index
      %get3A_13 = arith.constant 0 : index
      %get3A_14 = vector.load %arg4[%get3A_11, %get3A_12, %get3A_13] : memref<1x1024x1024xf32, #tpu.memory_space<vmem>>, vector<1x1024x1024xf32>
      %get3A_15 = vector.shape_cast %get3A_14 : vector<1x1024x1024xf32> to vector<1024x1024xf32>
      %dot_general3A_16 = arith.constant dense<0.000000e+00> : vector<256x1024xf32>
      %dot_general3A_17 = tpu.matmul %get3A_4, %get3A_15, %dot_general3A_16 {dimension_numbers = #tpu.dot_dimension_numbers<[1], [1], [0], [0], [0, 0, 1, 0], [], []>, transpose_lhs_hint = false} : vector<256x1024xf32>, vector<1024x1024xf32>, vector<256x1024xf32> -> vector<256x1024xf32>
      %logistic3A = arith.negf %dot_general3A_10 : vector<256x1024xf32>
      %logistic3A_18 = math.exp %logistic3A : vector<256x1024xf32>
      %logistic3A_19 = arith.constant 1.000000e+00 : f32
      %logistic3A_20 = vector.broadcast %logistic3A_19 : f32 to vector<256x1024xf32>
      %logistic3A_21 = arith.addf %logistic3A_20, %logistic3A_18 : vector<256x1024xf32>
      %logistic3A_22 = arith.divf %logistic3A_20, %logistic3A_21 : vector<256x1024xf32>
      %mul3A = arith.mulf %dot_general3A_10, %logistic3A_22 : vector<256x1024xf32>
      %mul3A_23 = arith.mulf %mul3A, %dot_general3A_17 : vector<256x1024xf32>
      %get3A_24 = arith.constant 0 : index
      %get3A_25 = arith.constant 0 : index
      %get3A_26 = arith.constant 0 : index
      %get3A_27 = vector.load %arg5[%get3A_24, %get3A_25, %get3A_26] : memref<1x1024x1024xf32, #tpu.memory_space<vmem>>, vector<1x1024x1024xf32>
      %get3A_28 = vector.shape_cast %get3A_27 : vector<1x1024x1024xf32> to vector<1024x1024xf32>
      %dot_general3A_29 = arith.constant dense<0.000000e+00> : vector<256x1024xf32>
      %dot_general3A_30 = tpu.matmul %mul3A_23, %get3A_28, %dot_general3A_29 {dimension_numbers = #tpu.dot_dimension_numbers<[1], [1], [0], [0], [0, 0, 1, 0], [], []>, transpose_lhs_hint = false} : vector<256x1024xf32>, vector<1024x1024xf32>, vector<256x1024xf32> -> vector<256x1024xf32>
      %swap3A = arith.constant 0 : index
      %swap3A_31 = arith.constant 0 : index
      %swap3A_32 = vector.load %arg6[%swap3A, %swap3A_31] : memref<256x1024xf32, #tpu.memory_space<vmem>>, vector<256x1024xf32>
      tpu.vector_store %arg6[%swap3A, %swap3A_31], %dot_general3A_30 {strides = array<i32>} : memref<256x1024xf32, #tpu.memory_space<vmem>>, vector<256x1024xf32>,
    } else {
    }
    return
  }
  func.func @transform_0(%arg0: i32, %arg1: memref<24xi32, #tpu.memory_space<smem>>) -> (i32, i32) {
    %c0_i32 = arith.constant 0 : i32
    %c0_i32_0 = arith.constant 0 : i32
    return %arg0, %c0_i32 : i32, i32
  }
  func.func @transform_1(%arg0: i32, %arg1: memref<24xi32, #tpu.memory_space<smem>>) -> (i32, i32, i32) {
    %get3A = arith.index_cast %arg0 : i32 to index
    %get3A_0 = memref.load %arg1[%get3A] : memref<24xi32, #tpu.memory_space<smem>>
    %c0_i32 = arith.constant 0 : i32
    %c0_i32_1 = arith.constant 0 : i32
    %c0_i32_2 = arith.constant 0 : i32
    return %get3A_0, %c0_i32, %c0_i32_1 : i32, i32, i32
  }
  func.func @transform_2(%arg0: i32, %arg1: memref<24xi32, #tpu.memory_space<smem>>) -> (i32, i32, i32) {
    %get3A = arith.index_cast %arg0 : i32 to index
    %get3A_0 = memref.load %arg1[%get3A] : memref<24xi32, #tpu.memory_space<smem>>
    %c0_i32 = arith.constant 0 : i32
    %c0_i32_1 = arith.constant 0 : i32
    %c0_i32_2 = arith.constant 0 : i32
    return %get3A_0, %c0_i32, %c0_i32_1 : i32, i32, i32
  }
  func.func @transform_3(%arg0: i32, %arg1: memref<24xi32, #tpu.memory_space<smem>>) -> (i32, i32, i32) {
    %get3A = arith.index_cast %arg0 : i32 to index
    %get3A_0 = memref.load %arg1[%get3A] : memref<24xi32, #tpu.memory_space<smem>>
    %c0_i32 = arith.constant 0 : i32
    %c0_i32_1 = arith.constant 0 : i32
    %c0_i32_2 = arith.constant 0 : i32
    return %get3A_0, %c0_i32, %c0_i32_1 : i32, i32, i32
  }
  func.func @transform_4(%arg0: i32, %arg1: memref<24xi32, #tpu.memory_space<smem>>) -> (i32, i32) {
    %c0_i32 = arith.constant 0 : i32
    %c0_i32_0 = arith.constant 0 : i32
    return %arg0, %c0_i32 : i32, i32
  }
}

module attributes {stable_mosaic.version = 14 : i64} {
  func.func @_shared_kernel(%arg0: i32, %arg1: memref<256x1024xf32, #tpu.memory_space<vmem>>, %arg2: memref<1024x1024xf32, #tpu.memory_space<vmem>>, %arg3: memref<1024x1024xf32, #tpu.memory_space<vmem>>, %arg4: memref<1024x1024xf32, #tpu.memory_space<vmem>>, %arg5: memref<256x1024xf32, #tpu.memory_space<vmem>>) attributes {dimension_semantics = [#tpu.dimension_semantics<arbitrary>], iteration_bounds = array<i64: 8>, scalar_prefetch = 0 : i64, scratch_operands = 0 : i64, tpu.core_type = #tpu.core_type<tc>, window_params = [{transform_indices = @transform_0, window_bounds = array<i64: 256, 1024>}, {pipeline_mode = #tpu.pipeline_mode<synchronous>, transform_indices = @transform_1, window_bounds = array<i64: 1024, 1024>}, {pipeline_mode = #tpu.pipeline_mode<synchronous>, transform_indices = @transform_2, window_bounds = array<i64: 1024, 1024>}, {pipeline_mode = #tpu.pipeline_mode<synchronous>, transform_indices = @transform_3, window_bounds = array<i64: 1024, 1024>}, {transform_indices = @transform_4, window_bounds = array<i64: 256, 1024>}]} {
    %get3A = arith.constant 0 : index
    %get3A_0 = arith.constant 0 : index
    %get3A_1 = vector.load %arg1[%get3A, %get3A_0] : memref<256x1024xf32, #tpu.memory_space<vmem>>, vector<256x1024xf32>
    %get3A_2 = arith.constant 0 : index
    %get3A_3 = arith.constant 0 : index
    %get3A_4 = vector.load %arg2[%get3A_2, %get3A_3] : memref<1024x1024xf32, #tpu.memory_space<vmem>>, vector<1024x1024xf32>
    %dot_general3A = arith.constant dense<0.000000e+00> : vector<256x1024xf32>
    %dot_general3A_5 = tpu.matmul %get3A_1, %get3A_4, %dot_general3A {dimension_numbers = #tpu.dot_dimension_numbers<[1], [1], [0], [0], [0, 0, 1, 0], [], []>, transpose_lhs_hint = false} : vector<256x1024xf32>, vector<1024x1024xf32>, vector<256x1024xf32> -> vector<256x1024xf32>
    %get3A_6 = arith.constant 0 : index
    %get3A_7 = arith.constant 0 : index
    %get3A_8 = vector.load %arg3[%get3A_6, %get3A_7] : memref<1024x1024xf32, #tpu.memory_space<vmem>>, vector<1024x1024xf32>
    %dot_general3A_9 = arith.constant dense<0.000000e+00> : vector<256x1024xf32>
    %dot_general3A_10 = tpu.matmul %get3A_1, %get3A_8, %dot_general3A_9 {dimension_numbers = #tpu.dot_dimension_numbers<[1], [1], [0], [0], [0, 0, 1, 0], [], []>, transpose_lhs_hint = false} : vector<256x1024xf32>, vector<1024x1024xf32>, vector<256x1024xf32> -> vector<256x1024xf32>
    %logistic3A = arith.negf %dot_general3A_5 : vector<256x1024xf32>
    %logistic3A_11 = math.exp %logistic3A : vector<256x1024xf32>
    %logistic3A_12 = arith.constant 1.000000e+00 : f32
    %logistic3A_13 = vector.broadcast %logistic3A_12 : f32 to vector<256x1024xf32>
    %logistic3A_14 = arith.addf %logistic3A_13, %logistic3A_11 : vector<256x1024xf32>
    %logistic3A_15 = arith.divf %logistic3A_13, %logistic3A_14 : vector<256x1024xf32>
    %mul3A = arith.mulf %dot_general3A_5, %logistic3A_15 : vector<256x1024xf32>
    %mul3A_16 = arith.mulf %mul3A, %dot_general3A_10 : vector<256x1024xf32>
    %get3A_17 = arith.constant 0 : index
    %get3A_18 = arith.constant 0 : index
    %get3A_19 = vector.load %arg4[%get3A_17, %get3A_18] : memref<1024x1024xf32, #tpu.memory_space<vmem>>, vector<1024x1024xf32>
    %dot_general3A_20 = arith.constant dense<0.000000e+00> : vector<256x1024xf32>
    %dot_general3A_21 = tpu.matmul %mul3A_16, %get3A_19, %dot_general3A_20 {dimension_numbers = #tpu.dot_dimension_numbers<[1], [1], [0], [0], [0, 0, 1, 0], [], []>, transpose_lhs_hint = false} : vector<256x1024xf32>, vector<1024x1024xf32>, vector<256x1024xf32> -> vector<256x1024xf32>
    %swap3A = arith.constant 0 : index
    %swap3A_22 = arith.constant 0 : index
    %swap3A_23 = vector.load %arg5[%swap3A, %swap3A_22] : memref<256x1024xf32, #tpu.memory_space<vmem>>, vector<256x1024xf32>
    tpu.vector_store %arg5[%swap3A, %swap3A_22], %dot_general3A_21 {strides = array<i32>} : memref<256x1024xf32, #tpu.memory_space<vmem>>, vector<256x1024xf32>,
    return
  }
  func.func @transform_0(%arg0: i32) -> (i32, i32) {
    %c0_i32 = arith.constant 0 : i32
    %c0_i32_0 = arith.constant 0 : i32
    return %arg0, %c0_i32 : i32, i32
  }
  func.func @transform_1(%arg0: i32) -> (i32, i32) {
    %c0_i32 = arith.constant 0 : i32
    %c0_i32_0 = arith.constant 0 : i32
    %c0_i32_1 = arith.constant 0 : i32
    return %c0_i32, %c0_i32_0 : i32, i32
  }
  func.func @transform_2(%arg0: i32) -> (i32, i32) {
    %c0_i32 = arith.constant 0 : i32
    %c0_i32_0 = arith.constant 0 : i32
    %c0_i32_1 = arith.constant 0 : i32
    return %c0_i32, %c0_i32_0 : i32, i32
  }
  func.func @transform_3(%arg0: i32) -> (i32, i32) {
    %c0_i32 = arith.constant 0 : i32
    %c0_i32_0 = arith.constant 0 : i32
    %c0_i32_1 = arith.constant 0 : i32
    return %c0_i32, %c0_i32_0 : i32, i32
  }
  func.func @transform_4(%arg0: i32) -> (i32, i32) {
    %c0_i32 = arith.constant 0 : i32
    %c0_i32_0 = arith.constant 0 : i32
    return %arg0, %c0_i32 : i32, i32
  }
}

module attributes {stable_mosaic.version = 14 : i64} {
  func.func @_combine_kernel(%arg0: i32, %arg1: memref<256x1024xf32, #tpu.memory_space<vmem>>, %arg2: memref<256x1024xf32, #tpu.memory_space<vmem>>, %arg3: memref<256x1024xf32, #tpu.memory_space<vmem>>, %arg4: memref<8x256xf32, #tpu.memory_space<vmem>>, %arg5: memref<256x1024xf32, #tpu.memory_space<vmem>>) attributes {dimension_semantics = [#tpu.dimension_semantics<arbitrary>], iteration_bounds = array<i64: 8>, scalar_prefetch = 0 : i64, scratch_operands = 0 : i64, tpu.core_type = #tpu.core_type<tc>, window_params = [{transform_indices = @transform_0, window_bounds = array<i64: 256, 1024>}, {transform_indices = @transform_1, window_bounds = array<i64: 256, 1024>}, {transform_indices = @transform_2, window_bounds = array<i64: 256, 1024>}, {transform_indices = @transform_3, window_bounds = array<i64: 8, 256>}, {transform_indices = @transform_4, window_bounds = array<i64: 256, 1024>}]} {
    %get3A = arith.constant 2 : index
    %get3A_0 = arith.constant 0 : index
    %get3A_1 = vector.load %arg4[%get3A, %get3A_0] : memref<8x256xf32, #tpu.memory_space<vmem>>, vector<2x256xf32>
    %transpose3A = tpu.transpose %get3A_1, [1, 0] : vector<2x256xf32> -> vector<256x2xf32>
    %get3A_2 = arith.constant 0 : index
    %get3A_3 = arith.constant 0 : index
    %get3A_4 = vector.load %arg1[%get3A_2, %get3A_3] : memref<256x1024xf32, #tpu.memory_space<vmem>>, vector<256x1024xf32>
    %slice3A = vector.extract_strided_slice %transpose3A {offsets = [0, 0], sizes = [256, 1], strides = [1, 1]} : vector<256x2xf32> to vector<256x1xf32>
    %get3A_5 = arith.constant 0 : index
    %get3A_6 = arith.constant 0 : index
    %get3A_7 = vector.load %arg2[%get3A_5, %get3A_6] : memref<256x1024xf32, #tpu.memory_space<vmem>>, vector<256x1024xf32>
    %mul3A = vector.broadcast %slice3A : vector<256x1xf32> to vector<256x1024xf32>
    %mul3A_8 = arith.mulf %mul3A, %get3A_7 : vector<256x1024xf32>
    %add3A = arith.addf %get3A_4, %mul3A_8 : vector<256x1024xf32>
    %slice3A_9 = vector.extract_strided_slice %transpose3A {offsets = [0, 1], sizes = [256, 1], strides = [1, 1]} : vector<256x2xf32> to vector<256x1xf32>
    %get3A_10 = arith.constant 0 : index
    %get3A_11 = arith.constant 0 : index
    %get3A_12 = vector.load %arg3[%get3A_10, %get3A_11] : memref<256x1024xf32, #tpu.memory_space<vmem>>, vector<256x1024xf32>
    %mul3A_13 = vector.broadcast %slice3A_9 : vector<256x1xf32> to vector<256x1024xf32>
    %mul3A_14 = arith.mulf %mul3A_13, %get3A_12 : vector<256x1024xf32>
    %add3A_15 = arith.addf %add3A, %mul3A_14 : vector<256x1024xf32>
    %swap3A = arith.constant 0 : index
    %swap3A_16 = arith.constant 0 : index
    %swap3A_17 = vector.load %arg5[%swap3A, %swap3A_16] : memref<256x1024xf32, #tpu.memory_space<vmem>>, vector<256x1024xf32>
    tpu.vector_store %arg5[%swap3A, %swap3A_16], %add3A_15 {strides = array<i32>} : memref<256x1024xf32, #tpu.memory_space<vmem>>, vector<256x1024xf32>,
    return
  }
  func.func @transform_0(%arg0: i32) -> (i32, i32) {
    %c0_i32 = arith.constant 0 : i32
    %c0_i32_0 = arith.constant 0 : i32
    return %arg0, %c0_i32 : i32, i32
  }
  func.func @transform_1(%arg0: i32) -> (i32, i32) {
    %c0_i32 = arith.constant 0 : i32
    %c0_i32_0 = arith.constant 0 : i32
    return %arg0, %c0_i32 : i32, i32
  }
  func.func @transform_2(%arg0: i32) -> (i32, i32) {
    %c0_i32 = arith.constant 0 : i32
    %c0_i32_0 = arith.constant 0 : i32
    return %arg0, %c0_i32 : i32, i32
  }
  func.func @transform_3(%arg0: i32) -> (i32, i32) {
    %c0_i32 = arith.constant 0 : i32
    %c0_i32_0 = arith.constant 0 : i32
    return %c0_i32, %arg0 : i32, i32
  }
  func.func @transform_4(%arg0: i32) -> (i32, i32) {
    %c0_i32 = arith.constant 0 : i32
    %c0_i32_0 = arith.constant 0 : i32
    return %arg0, %c0_i32 : i32, i32
  }
}

</mosaic_0001>

<sc_bundles>
// kernel: gather_offload_async_start.1
scs
__scs_entry_jumppad:
0x0: {  	(pc) =	sbr.rel $0x88, $3  }
0x1: {  	(tag) =	ssettag $0x0;
	lr =	simm.s32 $0x1  }
0x2: {  	[smem:$0x3F98] =	sst lr;
	_ =	strace $0xD0000000  }
0x3: {  	_ = 	snop  }
0x4: {  	_ = 	snop  }
0x5: {  	_ = 	snop  }
0x6: {  	_ = 	snop  }
0x7: {  	_ = 	snop  }
__scs_overlays_trampoline_lowered:
0x8: {  	[smem:$0x3FA7] =	sst s0  }
0x9: {  	[smem:$0x3FA8] =	sst s1  }
0xa: {  	[smem:$0x3FA9] =	sst s2  }
0xb: {  	[smem:$0x3FAA] =	sst s3  }
0xc: {  	[smem:$0x3FAB] =	sst s4  }
0xd: {  	[smem:$0x3FAC] =	sst s5  }
0xe: {  	[smem:$0x3FAD] =	sst s6  }
0xf: {  	[smem:$0x3FAE] =	sst s7  }
0x10: {  	[smem:$0x3FAF] =	sst s8  }
0x11: {  	[smem:$0x3FB0] =	sst s9;
	s0 =	simm.s32 @!p0 $0x0  }
0x12: {  	s1 =	sld [smem:$0x3F96];
	s0 =	simm.s32 @p0 $0x1  }
0x13: {  	[smem:$0x3FB1] =	sst s0;
	s0 =	simm.s32 @!p1 $0x0  }
0x14: {  	s2 =	sld [smem:$0x3F95];
	s0 =	simm.s32 @p1 $0x1  }
0x15: {  	[smem:$0x3FB2] =	sst s0;
	s0 =	simm.s32 @!p2 $0x0  }
0x16: {  	s3 =	sld [smem:$0x3FDB];
	s0 =	simm.s32 @p2 $0x1  }
0x17: {  	s4 =	simm.s32 $0x1BF5;
	[smem:$0x3FB4] =	sst s0  }
0x18: {  	s0 =	sld [smem:$0x3F97];
	_ =	swait.ge [sflag:s4], $0x0  }
0x19: {  	s7 =	sld [smem:$0x3F98]  }
0x1a: {  	s8 =	sadd.s32 $0xFFFFE003, lr  }
0x1b: {  	s9 =	sadd.s32 $0xFFFFFEF7, lr;
	s5 =	simm.s32 $0xFFFFFFFF;
	p2 =	slt.u32 s8, $0xFFFFF086  }
0x1c: {  	p1 =	slt.u32 s9, $0xF7A;
	s5 =	simm.s32 @!p2 $0x0  }
0x1d: {  	s5 =	simm.s32 @p1 $0x1;
	p0 =	seq.s32 s7, s2  }
0x1e: {  	s7 =	smul.u32 @!p0 $0xF7A, s2;
	p2 =	seq.s32 @!p0 s5, $0x0  }
0x1f: {  	s9 =	smul.u32 $0xF7A, s1;
	s8 =	simm.s32 @!p0 $0x1BF5;
	p2 =	por !p2, p0  }
0x20: {  	[sflag:s8] =	ssyncset.s32 @!p0 $0xFFFFF086;
	s6 =	sadd.s32 @!p0 s3, s7;
	s7 =	simm.s32 @!p0 $0x108  }
0x21: {  	s3 =	sadd.s32 s3, s9;
	s6 =	sadd.s32 @!p0 $0x88, s6;
	s7 =	simm.s32 @p2 $0x1082  }
0x22: {  	[simem:s7], [sflag:s8] =	dma.local @!p0 [hbm:s6], $0xF7A  }
0x23: {  	s9 =	sor.u32 $0xD0000000, s2;
	s6 =	simm.s32 $0x108;
	_ =	swait.ge @!p0 [sflag:s8], $0x0  }
0x24: {  	s3 =	sadd.s32 $0x88, s3;
	s6 =	simm.s32 @!p1 $0x1082;
	[sflag:s4] =	ssyncset.s32 $0xFFFFF086  }
0x25: {  	[simem:s6], [sflag:s4] =	dma.local [hbm:s3], $0xF7A  }
0x26: {  	[smem:$0x3F98] =	sst s1;
	(tag) =	ssettag s2;
	_ =	strace s9  }
0x27: {  	s1 =	sld [smem:$0x3FA8]  }
0x28: {  	s2 =	sld [smem:$0x3FA9]  }
0x29: {  	s4 =	sld [smem:$0x3FAB]  }
0x2a: {  	p0 =	seq.s32 s5, $0x0;
	s5 =	sld [smem:$0x3FAC]  }
0x2b: {  	s6 =	sld [smem:$0x3FAD]  }
0x2c: {  	s7 =	sld [smem:$0x3FAE]  }
0x2d: {  	s3 =	simm.s32 $0x108;
	s8 =	sld [smem:$0x3FAF]  }
0x2e: {  	s3 =	simm.s32 @!p0 $0x1082;
	s9 =	sld [smem:$0x3FB0]  }
0x2f: {  	lr =	sadd.s32 s0, s3;
	s0 =	sld [smem:$0x3FA7]  }
0x30: {  	s3 =	sld [smem:$0x3FAA]  }
0x31: {  	[smem:$0x3FB3] =	sst s10  }
0x32: {  	s10 =	sld [smem:$0x3FB1];
	_ =	sdelay $0x3  }
0x33: {  	p0 =	seq.s32 s10, $0x1;
	s10 =	sld [smem:$0x3FB3];
	_ =	sdelay $0x3  }
0x34: {  	[smem:$0x3FB3] =	sst s10  }
0x35: {  	s10 =	sld [smem:$0x3FB2];
	_ =	sdelay $0x3  }
0x36: {  	p1 =	seq.s32 s10, $0x1;
	s10 =	sld [smem:$0x3FB3];
	_ =	sdelay $0x3  }
0x37: {  	[smem:$0x3FB3] =	sst s10  }
0x38: {  	s10 =	sld [smem:$0x3FB4]  }
0x39: {  	_ = 	snop;
	(pc) =	sbr.ind lr, $3  }
0x3a: {  	_ = 	snop  }
0x3b: {  	_ = 	snop  }
0x3c: {  	p2 =	seq.s32 s10, $0x1;
	s10 =	sld [smem:$0x3FB3]  }
0x3d: {  	_ =	shalt  }
0x3e: {  	_ =	shalt  }
0x3f: {  	_ =	shalt  }
0x40: {  	_ =	shalt  }
0x41: {  	_ =	shalt  }
0x42: {  	_ =	shalt  }
0x43: {  	_ =	shalt  }
0x44: {  	_ =	shalt  }
0x45: {  	_ =	shalt  }
0x46: {  	_ =	shalt  }
0x47: {  	_ =	shalt  }
0x48: {  	_ =	shalt  }
0x49: {  	_ =	shalt  }
0x4a: {  	_ =	shalt  }
0x4b: {  	_ =	shalt  }
0x4c: {  	_ =	shalt  }
0x4d: {  	_ =	shalt  }
0x4e: {  	_ =	shalt  }
0x4f: {  	_ =	shalt  }
0x50: {  	_ =	shalt  }
0x51: {  	_ =	shalt  }
0x52: {  	_ =	shalt  }
0x53: {  	_ =	shalt  }
0x54: {  	_ =	shalt  }
0x55: {  	_ =	shalt  }
0x56: {  	_ =	shalt  }
0x57: {  	_ =	shalt  }
0x58: {  	_ =	shalt  }
0x59: {  	_ =	shalt  }
0x5a: {  	_ =	shalt  }
0x5b: {  	_ =	shalt  }
0x5c: {  	_ =	shalt  }
0x5d: {  	_ =	shalt  }
0x5e: {  	_ =	shalt  }
0x5f: {  	_ =	shalt  }
0x60: {  	_ =	shalt  }
0x61: {  	_ =	shalt  }
0x62: {  	_ =	shalt  }
0x63: {  	_ =	shalt  }
0x64: {  	_ =	shalt  }
0x65: {  	_ =	shalt  }
0x66: {  	_ =	shalt  }
0x67: {  	_ =	shalt  }
0x68: {  	_ =	shalt  }
0x69: {  	_ =	shalt  }
0x6a: {  	_ =	shalt  }
0x6b: {  	_ =	shalt  }
0x6c: {  	_ =	shalt  }
0x6d: {  	_ =	shalt  }
0x6e: {  	_ =	shalt  }
0x6f: {  	_ =	shalt  }
0x70: {  	_ =	shalt  }
0x71: {  	_ =	shalt  }
0x72: {  	_ =	shalt  }
0x73: {  	_ =	shalt  }
0x74: {  	_ =	shalt  }
0x75: {  	_ =	shalt  }
0x76: {  	_ =	shalt  }
0x77: {  	_ =	shalt  }
0x78: {  	_ =	shalt  }
0x79: {  	_ =	shalt  }
0x7a: {  	_ =	shalt  }
0x7b: {  	_ =	shalt  }
0x7c: {  	_ =	shalt  }
0x7d: {  	_ =	shalt  }
0x7e: {  	_ =	shalt  }
0x7f: {  	_ =	shalt  }
0x80: {  	_ =	shalt  }
0x81: {  	_ =	shalt  }
0x82: {  	_ =	shalt  }
0x83: {  	_ =	shalt  }
0x84: {  	_ =	shalt  }
0x85: {  	_ =	shalt  }
0x86: {  	_ =	shalt  }
0x87: {  	_ =	shalt  }
.Lfunc_end0:
.L_simem_size_0:
called_computation.1_lowered:
.L_overlay_start_0:
0x88: {  	s2 =	sld [smem:$0x3FD9]  }
0x89: {  	s3 =	sld [smem:$0x3FFE];
	_ =	sdelay $0x1  }
0x8a: {  	s1 =	srdreg.scid  }
0x8b: {  	s0 =	sand.u32 $0x1, s1  }
0x8c: {  	s16 =	sshll.u32 s0, $0xA;
	s2 =	sadd.s32 s3, s2  }
0x8d: {  	s2 =	sadd.s32 s2, s16  }
0x8e: {  	[smem:$0x3FBF] =	sst s2  }
0x8f: {  	_ = 	snop  }
0x90: {  	(tm) =	ssettm $0x1  }
0x91: {  	s17 =	sld [smem:$0x3FFB];
	_ =	sdelay $0x3  }
0x92: {  	_ =	strace s17  }
0x93: {  	s2 =	sld [smem:$0x3FFC];
	_ =	sdelay $0x3  }
0x94: {  	_ =	strace s2  }
0x95: {  	s2 =	sld [smem:$0x3FFD];
	_ =	sdelay $0x3  }
0x96: {  	_ =	strace s2  }
0x97: {  	_ =	strace $0x8FFFFFFF  }
0x98: {  	s18 =	sld [smem:$0x3FDB];
	_ =	sdelay $0x1  }
0x99: {  	s19 =	simm.s32 $_scs_section_size  }
0x9a: {  	s4 =	simm.s32 $_size__tile_overlayer_lowered;
	s5 =	simm.s32 $_tile_overlayer_lowered  }
0x9b: {  	s22 =	simm.s32 $0x1BFF;
	s21 =	sshll.u32 s5, $0x1;
	s2 =	sadd.s32 s19, s18  }
0x9c: {  	s6 =	simm.s32 $0x0;
	s20 =	sshll.u32 s4, $0x1;
	s4 =	sadd.s32 s21, s2  }
0x9d: {  	[timem:s6], [sflag:s22] =	dma.local [hbm:s4], s20  }
0x9e: {  	_ =	swait.ge [sflag:s22], s20  }
0x9f: {  	s3 =	ssub.s32 $0x0, s20;
	[sflag:s22] =	ssyncset.done $0x0  }
0xa0: {  	[sflag:s22] =	ssyncadd.s32 s3;
	_ =	sdelay $0x1  }
0xa1: {  	s23 =	simm.s32 $0x1B8B  }
0xa2: {  	_ =	swait.ge [sflag:s23], $0x1  }
0xa3: {  	[sflag:s23] =	ssyncset.done $0x0  }
0xa4: {  	s25 =	simm.s32 $0x1B8E;
	s24 =	sld [smem:$0x3FFE];
	[sflag:s23] =	ssyncadd.s32 $0xFFFFFFFF  }
0xa5: {  	s26 =	simm.s32 $execute0_lowered;
	[smem:$0x3FD2] =	sst s25  }
0xa6: {  	s4 =	sshll.u32 s26, $0x1;
	_ =	strace $0x80000049;
	[dreg:$0x1] =	wrdreg $0xFFFFFFFF  }
0xa7: {  	s28 =	simm.s32 $_size_execute0_lowered;
	s2 =	sadd.s32 s2, s4;
	[dreg:$0x0] =	wrdreg $0x0  }
0xa8: {  	s4 =	sshll.u32 s28, $0x1;
	[dreg:$0x2] =	wrdreg s2  }
0xa9: {  	[dreg:$0x3] =	wrdreg s4  }
0xaa: {  	[dreg:$0x4] =	wrdreg $0xC0  }
0xab: {  	_ =	task [dreg:s6], $0x5FFFF  }
0xac: {  	[dreg:$0x1] =	wrdreg $0xFFFFFFFF  }
0xad: {  	[dreg:$0x0] =	wrdreg $0x60  }
0xae: {  	[dreg:$0x2] =	wrdreg s24  }
0xaf: {  	[dreg:$0x3] =	wrdreg $0xA  }
0xb0: {  	_ =	task.clear_ibuf [dreg:s6], $0x4FFFF;
	_ =	strace $0x90000049  }
0xb1: {  	s29 =	simm.s32 $0xA;
	_ =	strace $0x8000004B  }
0xb2: {  	_ =	swait.ge [sflag:s29], $0x1  }
0xb3: {  	[sflag:s29] =	ssyncadd.s32 $0xFFFFFFFF  }
0xb4: {  	_ =	strace $0x9000004B  }
0xb5: {  	_ =	sfence  }
0xb6: {  	s30 =	sld [smem:$0x0];
	_ =	sdelay $0x2  }
0xb7: {  	s31 =	sshll.u32 s1, $0xD;
	s1 =	sshrl.u32 s1, $0x2  }
0xb8: {  	s3 =	sand.u32 $0x4000, s31;
	s1 =	sadd.s32 s1, s30  }
0xb9: {  	s0 =	sor.u32 s3, s0;
	s1 =	sshll.u32 s1, $0x11  }
0xba: {  	s0 =	sor.u32 s1, s0  }
0xbb: {  	s0 =	sadd.s32 $0x8F2B, s0  }
0xbc: {  	[sflag:s0] =	ssyncadd.remote.s32 $0x1  }
0xbd: {  	_ =	sfence.sel $0xFFFF  }
0xbe: {  	[dreg:$0x0] =	wrdreg $0xFFFFFFFF;
	(pc) =	sbr.abs _section_cstart, $3  }
0xbf: {  	[dreg:$0x1] =	wrdreg $0xFFFFFFFF  }
0xc0: {  	_ =	task.clear_ibuf [dreg:s6], $0x2FFFF;
	_ =	strace $0x9FFFFFFF  }
0xc1: {  	(tm) =	ssettm $0x7FFFFFFF  }
tec
execute0_lowered:
.L_overlay_start_1:
0x0: {  	(tag) =	ssettag $0x1  }
0x1: {  	s7 =	rddreg [dreg:$0x0]  }
0x2: {  	s0 =	rddreg [dreg:$0x1];
	_ =	strace $0x8000004A  }
0x3: {  	s1 =	srdreg.scid;
	s4 =	simm.s32 $0x1;
	s9 =	simm.s32 $0x3  }
0x4: {  	s11 =	simm.s32 $0x0;
	p0 =	por $0x0, $0x0;
	s5 =	sshll.u32 s1, $0x4  }
.Ltmp0:
0x5: {  	s1 =	stileid.u32;
	s5 =	sand.u32 $0x10, s5;
	(pc) =	sbr.rel .LBB2_1-.Ltmp0, $4  }
0x6: {  	s2 =	sadd.s32 $0xBAC00, s7;
	s3 =	sadd.s32 $0xBAA00, s7;
	s6 =	sor.u32 s1, s5  }
0x7: {  	[sflag:s4] =	ssyncpa.u1 $0x0;
	s5 =	simm.s32 $0x2;
	s6 =	sshll.u32 s6, $0x6  }
0x8: {  	s7 =	sadd.s32 $0x2800, s7;
	[sflag:s5] =	ssyncpa.u1 $0x0;
	s8 =	sadd.s32 $0x40, s6  }
0x9: {  	vm0 =	vmmov $0xff;
	vm1 =	vcmask $0x3F20;
	[sflag:s9] =	ssyncpa.u1 $0x0;
	s10 =	smov.u32 s6;
	s9 =	simm.s32 $0x0  }
.LBB2_9:
0xa: {  	p1 =	slt.u32 s9, $0x2;
	s11 =	sadd.s32 $0x20, s10  }
0xb: {  	s13 =	smov.u32 s6;
	s9 =	sadd.s32 $0x1, s9;
	p2 =	slt.s32 s11, s8  }
0xc: {  	s13 =	smov.u32 @p2 s11;
	p2 =	sne.s32 s9, $0x4  }
.Ltmp1:
0xd: {  	_ = 	snop;
	(pc) =	sbr.rel @!p2 .LBB2_10-.Ltmp1, $4  }
0xe: {  	s12 =	simm.s32 @!p1 $0x3  }
0xf: {  	_ =	swait.ge @!p1 [sflag:s12], $0x8000  }
0x10: {  	p0 =	por !p0, !p0;
	[sflag:s12] =	ssyncset.done @!p1 $0x0  }
0x11: {  	s11 =	smov.u32 s10;
	s10 =	smov.u32 s13;
	[sflag:s12] =	ssyncadd.s32 @!p1 $0xFFFF8000  }
.LBB2_1:
0x12: {  	p1 =	sgt.u32 s9, $0x1  }
0x13: {  	s12 =	sshll.u32 @!p1 s9, $0x5;
	s13 =	sshrl.u32 @!p1 s10, $0x3  }
0x14: {  	s14 =	sand.u32 @!p1 $0x7, s10;
	s12 =	sxor.u32 @!p1 $0x20, s12;
	s13 =	sadd.s32 @!p1 s3, s13  }
0x15: {  	[tilespmem:s12], [sflag:$0x2] =	stream.linear.gather @!p1 [hbm4b:s13+s14], $0x20, $0x38;
	[tilespmem:$0x10040] =	vst v63  }
0x16: {  	p1 =	seq.s32 s9, $0x0  }
0x17: {  	p2 =	seq.s32 @!p1 s9, $0x3  }
0x18: {  	p1 =	por p1, p2  }
.Ltmp2:
0x19: {  	_ = 	snop;
	(pc) =	sbr.rel @p1 .LBB2_9-.Ltmp2, $1  }
0x1a: {  	_ =	sdelay $0x3  }
0x1b: {  	s12 =	simm.s32 $0x1  }
0x1c: {  	_ =	swait.ge [sflag:s5], $0x20;
	s13 =	sand.u32 $0x1, s9;
	s12 =	simm.s32 @!p0 $0x0  }
0x1d: {  	s15 =	simm.s32 $0x0;
	p2 =	por $0x1, $0x1;
	s12 =	sshll.u32 s12, $0x11  }
0x1e: {  	[sflag:s5] =	ssyncset.done $0x0;
	s13 =	sshll.u32 s13, $0x5;
	s14 =	sshrl.u32 s12, $0x2  }
0x1f: {  	[sflag:s5] =	ssyncadd.s32 $0xFFFFFFE0;
	s12 =	sor.u32 $0x40, s14;
	s14 =	sadd.s32 $0x40, s14  }
.LBB2_3:
0x20: {  	s16 =	sshll.u32 s15, $0x4  }
0x21: {  	s16 =	sand.u32 $0x3FFFFFF0, s16  }
0x22: {  	s16 =	sadd.s32 s16, s13  }
0x23: {  	v0 =	vld.msk [tilespmem:s16+$0x0 ss:$0x1], $0xffff;
	_ =	sdelay $0x4  }
0x24: {  	vm2 =	vgt.s32 v0, $0x0  }
0x25: {  	v0 =	vnsel vm2, $0x0, v0  }
0x26: {  	v0 =	vmin.u32 v0, $0x16FF  }
0x27: {  	v1 =	vshll.u32 v0, $0x7;
	v0 =	vshll.u32 v0, $0x4  }
0x28: {  	v1 =	vand.u32 $0xFFC00, v1;
	v0 =	vand.u32 $0x70, v0  }
0x29: {  	v0 =	vor.u32 v0, v1  }
0x2a: {  	s31 =	sshll.u32 s15, $0x10  }
0x2b: {  	s15 =	sshra.s32 s31, $0x2  }
0x2c: {  	s15 =	sadd.s32 s15, s14  }
0x2d: {  	s17 =	sadd.s32 $0x0, s15  }
0x2e: {  	[tilespmem:s17], [sflag:$0x1] =	stream.indirect_vreg.gather [hbm:s2], $0x80, v0, vm0, $0x38;
	[tilespmem:$0x10040] =	vst v63  }
0x2f: {  	p1 =	por p2, p2;
	s16 =	simm.s32 $0x1000;
	v1 =	vadd.s32 $0x80, v0;
	s17 =	sadd.s32 $0x2000, s17  }
.LBB2_4:
0x30: {  	[tilespmem:s17], [sflag:$0x1] =	stream.indirect_vreg.gather [hbm:s2], $0x80, v0, vm1, $0x38;
	[tilespmem:$0x10040] =	vst v63  }
0x31: {  	v0 =	vmov v1;
	s17 =	smov.u32 s16;
	p2 =	sne.s32 s16, $0x7000  }
.Ltmp3:
0x32: {  	s16 =	sadd.s32 $0x1000, s16;
	(pc) =	sbr.rel @p2 .LBB2_4-.Ltmp3, $4  }
0x33: {  	s17 =	sshra.s32 s17, $0x2  }
0x34: {  	s17 =	sadd.s32 s17, s15  }
0x35: {  	[tilespmem:s17], [sflag:$0x1] =	stream.indirect_vreg.gather [hbm:s2], $0x80, v1, vm0, $0x38;
	[tilespmem:$0x10040] =	vst v63  }
0x36: {  	s17 =	sadd.s32 $0x2000, s17;
	v1 =	vadd.s32 $0x80, v1  }
0x37: {  	_ = 	snop  }
.Ltmp4:
0x38: {  	_ = 	snop;
	(pc) =	sbr.rel @p1 .LBB2_3-.Ltmp4, $3  }
0x39: {  	_ =	sdelay $0x1  }
0x3a: {  	[tilespmem:s17], [sflag:$0x1] =	stream.indirect_vreg.gather [hbm:s2], $0x80, v0, vm1, $0x38;
	[tilespmem:$0x10040] =	vst v63  }
0x3b: {  	s15 =	simm.s32 $0x1;
	p2 =	por $0x0, $0x0  }
0x3c: {  	s13 =	sshll.u32 s11, $0x7  }
0x3d: {  	s31 =	sshll.u32 s11, $0x4;
	s13 =	sand.u32 $0xFFFFFC00, s13  }
0x3e: {  	_ =	swait.ge [sflag:s4], $0x8000;
	s11 =	sand.u32 $0x70, s31;
	s13 =	sadd.s32 s13, s7  }
0x3f: {  	s14 =	sadd.s32 $0x2000, s12;
	[sflag:s4] =	ssyncset.done $0x0;
	s11 =	sadd.s32 s11, s13  }
0x40: {  	[sflag:s4] =	ssyncadd.s32 $0xFFFF8000;
	s13 =	simm.s32 $0x400;
	s15 =	sadd.s32 $0x0, s11  }
.LBB2_7:
0x41: {  	[hbm:s15] =	stream.linear.scatter [tilespmem:s12], [sflag:$0x3], $0x2000, $0x38;
	[tilespmem:$0x10040] =	vst v63  }
0x42: {  	s15 =	smov.u32 s13;
	s12 =	smov.u32 s14;
	p1 =	sne.s32 s13, $0xC00  }
.Ltmp5:
0x43: {  	s13 =	sadd.s32 $0x400, s13;
	(pc) =	sbr.rel @p1 .LBB2_7-.Ltmp5, $2  }
0x44: {  	_ =	sdelay $0x2  }
0x45: {  	s14 =	sadd.s32 $0x2000, s14;
	s15 =	sadd.s32 s15, s11  }
.Ltmp6:
0x46: {  	(pc) =	sbr.rel .LBB2_9-.Ltmp6, $2  }
0x47: {  	_ =	sdelay $0x2  }
0x48: {  	[hbm:s15] =	stream.linear.scatter [tilespmem:s12], [sflag:$0x3], $0x2000, $0x38;
	[tilespmem:$0x10040] =	vst v63  }
.LBB2_10:
0x49: {  	_ =	sfence.sel $0x180000  }
0x4a: {  	s2 =	simm.s32 $0x2;
	[bflag:$0x0] =	sbarrier.arrive $0xFFFF  }
0x4b: {  	s30 =	simm.s32 $0x3;
	[sflag:s2] =	ssyncpa.u1 $0x1  }
0x4c: {  	s31 =	simm.s32 $0x1;
	[sflag:s30] =	ssyncpa.u1 $0x1  }
0x4d: {  	[sflag:s31] =	ssyncpa.u1 $0x1  }
0x4e: {  	p0 =	sne.s32 s1, $0x0;
	_ =	strace $0x9000004A  }
0x4f: {  	s0 =	sadd.s32 @!p0 $0x100000, s0;
	[bflag:$0x2] =	sbarrier.arrive $0xFFFF  }
0x50: {  	[sflag:s0] =	ssyncadd.tile.s32 @!p0 $0x1;
	_ =	shalt  }
.Lfunc_end2:
_tile_overlayer_lowered:
.L_overlay_start_2:
0x51: {  	(tag) =	ssettag $0x2  }
0x52: {  	s0 =	rddreg [dreg:$0x0];
	s2 =	stileid.u32  }
0x53: {  	s1 =	rddreg [dreg:$0x1];
	p0 =	sne.s32 s2, $0x0  }
0x54: {  	s3 =	rddreg [dreg:$0x2];
	[bflag:$0x3] =	sbarrier.arrive $0xFFFF;
	s2 =	simm.s32 @!p0 $0x1C01  }
0x55: {  	[timem:s3], [sflag:s2] =	dma.local @!p0 [hbm:s0], s1  }
0x56: {  	s0 =	simm.s32 @!p0 $0x1  }
0x57: {  	_ =	swait.ge @!p0 [sflag:s0], s1  }
0x58: {  	s1 =	ssub.s32 @!p0 $0x0, s1;
	[sflag:s0] =	ssyncset.done @!p0 $0x0  }
0x59: {  	[sflag:s0] =	ssyncadd.s32 @!p0 s1  }
0x5a: {  	[bflag:$0x3] =	sbarrier.arrive $0xFFFF  }
0x5b: {  	_ =	shalt  }

// kernel: gather_offload_async_start
scs
__scs_entry_jumppad:
0x0: {  	(pc) =	sbr.rel $0x88, $3  }
0x1: {  	(tag) =	ssettag $0x0;
	lr =	simm.s32 $0x1  }
0x2: {  	[smem:$0x3F98] =	sst lr;
	_ =	strace $0xD0000000  }
0x3: {  	_ = 	snop  }
0x4: {  	_ = 	snop  }
0x5: {  	_ = 	snop  }
0x6: {  	_ = 	snop  }
0x7: {  	_ = 	snop  }
__scs_overlays_trampoline_lowered:
0x8: {  	[smem:$0x3FA7] =	sst s0  }
0x9: {  	[smem:$0x3FA8] =	sst s1  }
0xa: {  	[smem:$0x3FA9] =	sst s2  }
0xb: {  	[smem:$0x3FAA] =	sst s3  }
0xc: {  	[smem:$0x3FAB] =	sst s4  }
0xd: {  	[smem:$0x3FAC] =	sst s5  }
0xe: {  	[smem:$0x3FAD] =	sst s6  }
0xf: {  	[smem:$0x3FAE] =	sst s7  }
0x10: {  	[smem:$0x3FAF] =	sst s8  }
0x11: {  	[smem:$0x3FB0] =	sst s9;
	s0 =	simm.s32 @!p0 $0x0  }
0x12: {  	s1 =	sld [smem:$0x3F96];
	s0 =	simm.s32 @p0 $0x1  }
0x13: {  	[smem:$0x3FB1] =	sst s0;
	s0 =	simm.s32 @!p1 $0x0  }
0x14: {  	s2 =	sld [smem:$0x3F95];
	s0 =	simm.s32 @p1 $0x1  }
0x15: {  	[smem:$0x3FB2] =	sst s0;
	s0 =	simm.s32 @!p2 $0x0  }
0x16: {  	s3 =	sld [smem:$0x3FDB];
	s0 =	simm.s32 @p2 $0x1  }
0x17: {  	s4 =	simm.s32 $0x1BF5;
	[smem:$0x3FB4] =	sst s0  }
0x18: {  	s0 =	sld [smem:$0x3F97];
	_ =	swait.ge [sflag:s4], $0x0  }
0x19: {  	s7 =	sld [smem:$0x3F98]  }
0x1a: {  	s8 =	sadd.s32 $0xFFFFE003, lr  }
0x1b: {  	s9 =	sadd.s32 $0xFFFFFEF7, lr;
	s5 =	simm.s32 $0xFFFFFFFF;
	p2 =	slt.u32 s8, $0xFFFFF086  }
0x1c: {  	p1 =	slt.u32 s9, $0xF7A;
	s5 =	simm.s32 @!p2 $0x0  }
0x1d: {  	s5 =	simm.s32 @p1 $0x1;
	p0 =	seq.s32 s7, s2  }
0x1e: {  	s7 =	smul.u32 @!p0 $0xF7A, s2;
	p2 =	seq.s32 @!p0 s5, $0x0  }
0x1f: {  	s9 =	smul.u32 $0xF7A, s1;
	s8 =	simm.s32 @!p0 $0x1BF5;
	p2 =	por !p2, p0  }
0x20: {  	[sflag:s8] =	ssyncset.s32 @!p0 $0xFFFFF086;
	s6 =	sadd.s32 @!p0 s3, s7;
	s7 =	simm.s32 @!p0 $0x108  }
0x21: {  	s3 =	sadd.s32 s3, s9;
	s6 =	sadd.s32 @!p0 $0x88, s6;
	s7 =	simm.s32 @p2 $0x1082  }
0x22: {  	[simem:s7], [sflag:s8] =	dma.local @!p0 [hbm:s6], $0xF7A  }
0x23: {  	s9 =	sor.u32 $0xD0000000, s2;
	s6 =	simm.s32 $0x108;
	_ =	swait.ge @!p0 [sflag:s8], $0x0  }
0x24: {  	s3 =	sadd.s32 $0x88, s3;
	s6 =	simm.s32 @!p1 $0x1082;
	[sflag:s4] =	ssyncset.s32 $0xFFFFF086  }
0x25: {  	[simem:s6], [sflag:s4] =	dma.local [hbm:s3], $0xF7A  }
0x26: {  	[smem:$0x3F98] =	sst s1;
	(tag) =	ssettag s2;
	_ =	strace s9  }
0x27: {  	s1 =	sld [smem:$0x3FA8]  }
0x28: {  	s2 =	sld [smem:$0x3FA9]  }
0x29: {  	s4 =	sld [smem:$0x3FAB]  }
0x2a: {  	p0 =	seq.s32 s5, $0x0;
	s5 =	sld [smem:$0x3FAC]  }
0x2b: {  	s6 =	sld [smem:$0x3FAD]  }
0x2c: {  	s7 =	sld [smem:$0x3FAE]  }
0x2d: {  	s3 =	simm.s32 $0x108;
	s8 =	sld [smem:$0x3FAF]  }
0x2e: {  	s3 =	simm.s32 @!p0 $0x1082;
	s9 =	sld [smem:$0x3FB0]  }
0x2f: {  	lr =	sadd.s32 s0, s3;
	s0 =	sld [smem:$0x3FA7]  }
0x30: {  	s3 =	sld [smem:$0x3FAA]  }
0x31: {  	[smem:$0x3FB3] =	sst s10  }
0x32: {  	s10 =	sld [smem:$0x3FB1];
	_ =	sdelay $0x3  }
0x33: {  	p0 =	seq.s32 s10, $0x1;
	s10 =	sld [smem:$0x3FB3];
	_ =	sdelay $0x3  }
0x34: {  	[smem:$0x3FB3] =	sst s10  }
0x35: {  	s10 =	sld [smem:$0x3FB2];
	_ =	sdelay $0x3  }
0x36: {  	p1 =	seq.s32 s10, $0x1;
	s10 =	sld [smem:$0x3FB3];
	_ =	sdelay $0x3  }
0x37: {  	[smem:$0x3FB3] =	sst s10  }
0x38: {  	s10 =	sld [smem:$0x3FB4]  }
0x39: {  	_ = 	snop;
	(pc) =	sbr.ind lr, $3  }
0x3a: {  	_ = 	snop  }
0x3b: {  	_ = 	snop  }
0x3c: {  	p2 =	seq.s32 s10, $0x1;
	s10 =	sld [smem:$0x3FB3]  }
0x3d: {  	_ =	shalt  }
0x3e: {  	_ =	shalt  }
0x3f: {  	_ =	shalt  }
0x40: {  	_ =	shalt  }
0x41: {  	_ =	shalt  }
0x42: {  	_ =	shalt  }
0x43: {  	_ =	shalt  }
0x44: {  	_ =	shalt  }
0x45: {  	_ =	shalt  }
0x46: {  	_ =	shalt  }
0x47: {  	_ =	shalt  }
0x48: {  	_ =	shalt  }
0x49: {  	_ =	shalt  }
0x4a: {  	_ =	shalt  }
0x4b: {  	_ =	shalt  }
0x4c: {  	_ =	shalt  }
0x4d: {  	_ =	shalt  }
0x4e: {  	_ =	shalt  }
0x4f: {  	_ =	shalt  }
0x50: {  	_ =	shalt  }
0x51: {  	_ =	shalt  }
0x52: {  	_ =	shalt  }
0x53: {  	_ =	shalt  }
0x54: {  	_ =	shalt  }
0x55: {  	_ =	shalt  }
0x56: {  	_ =	shalt  }
0x57: {  	_ =	shalt  }
0x58: {  	_ =	shalt  }
0x59: {  	_ =	shalt  }
0x5a: {  	_ =	shalt  }
0x5b: {  	_ =	shalt  }
0x5c: {  	_ =	shalt  }
0x5d: {  	_ =	shalt  }
0x5e: {  	_ =	shalt  }
0x5f: {  	_ =	shalt  }
0x60: {  	_ =	shalt  }
0x61: {  	_ =	shalt  }
0x62: {  	_ =	shalt  }
0x63: {  	_ =	shalt  }
0x64: {  	_ =	shalt  }
0x65: {  	_ =	shalt  }
0x66: {  	_ =	shalt  }
0x67: {  	_ =	shalt  }
0x68: {  	_ =	shalt  }
0x69: {  	_ =	shalt  }
0x6a: {  	_ =	shalt  }
0x6b: {  	_ =	shalt  }
0x6c: {  	_ =	shalt  }
0x6d: {  	_ =	shalt  }
0x6e: {  	_ =	shalt  }
0x6f: {  	_ =	shalt  }
0x70: {  	_ =	shalt  }
0x71: {  	_ =	shalt  }
0x72: {  	_ =	shalt  }
0x73: {  	_ =	shalt  }
0x74: {  	_ =	shalt  }
0x75: {  	_ =	shalt  }
0x76: {  	_ =	shalt  }
0x77: {  	_ =	shalt  }
0x78: {  	_ =	shalt  }
0x79: {  	_ =	shalt  }
0x7a: {  	_ =	shalt  }
0x7b: {  	_ =	shalt  }
0x7c: {  	_ =	shalt  }
0x7d: {  	_ =	shalt  }
0x7e: {  	_ =	shalt  }
0x7f: {  	_ =	shalt  }
0x80: {  	_ =	shalt  }
0x81: {  	_ =	shalt  }
0x82: {  	_ =	shalt  }
0x83: {  	_ =	shalt  }
0x84: {  	_ =	shalt  }
0x85: {  	_ =	shalt  }
0x86: {  	_ =	shalt  }
0x87: {  	_ =	shalt  }
.Lfunc_end0:
.L_simem_size_0:
called_computation_lowered:
.L_overlay_start_0:
0x88: {  	s2 =	sld [smem:$0x3FD9]  }
0x89: {  	s3 =	sld [smem:$0x3FFE];
	_ =	sdelay $0x1  }
0x8a: {  	s1 =	srdreg.scid  }
0x8b: {  	s0 =	sand.u32 $0x1, s1  }
0x8c: {  	s17 =	sshll.u32 s0, $0xA;
	s2 =	sadd.s32 s3, s2  }
0x8d: {  	s2 =	sadd.s32 s2, s17  }
0x8e: {  	[smem:$0x3FBF] =	sst s2  }
0x8f: {  	_ = 	snop  }
0x90: {  	s18 =	sld [smem:$0x3FD0];
	(tm) =	ssettm $0x1  }
0x91: {  	s19 =	sld [smem:$0x3FFB];
	_ =	sdelay $0x3  }
0x92: {  	_ =	strace s19  }
0x93: {  	s2 =	sld [smem:$0x3FFC];
	_ =	sdelay $0x3  }
0x94: {  	_ =	strace s2  }
0x95: {  	s2 =	sld [smem:$0x3FFD];
	_ =	sdelay $0x3  }
0x96: {  	_ =	strace s2  }
0x97: {  	_ =	strace $0x8FFFFFFF  }
0x98: {  	s20 =	sld [smem:$0x3FDB];
	_ =	sdelay $0x1  }
0x99: {  	s4 =	simm.s32 $_scs_section_size  }
0x9a: {  	s5 =	simm.s32 $_size__tile_overlayer_lowered;
	s6 =	simm.s32 $_tile_overlayer_lowered  }
0x9b: {  	s7 =	simm.s32 $0x1BFF;
	s21 =	sshll.u32 s6, $0x1;
	s4 =	sadd.s32 s4, s20  }
0x9c: {  	s22 =	simm.s32 $0x0;
	s5 =	sshll.u32 s5, $0x1;
	s6 =	sadd.s32 s21, s4  }
0x9d: {  	[timem:s22], [sflag:s7] =	dma.local [hbm:s6], s5  }
0x9e: {  	_ =	swait.ge [sflag:s7], s5  }
0x9f: {  	s5 =	ssub.s32 $0x0, s5;
	[sflag:s7] =	ssyncset.done $0x0  }
0xa0: {  	[sflag:s7] =	ssyncadd.s32 s5;
	_ =	sdelay $0x1  }
0xa1: {  	s23 =	simm.s32 $0x1B8B  }
0xa2: {  	_ =	swait.ge [sflag:s23], $0x1  }
0xa3: {  	[sflag:s23] =	ssyncset.done $0x0  }
0xa4: {  	[sflag:s23] =	ssyncadd.s32 $0xFFFFFFFF  }
0xa5: {  	s5 =	sld [smem:$0x0]  }
0xa6: {  	s6 =	sand.u32 $0xFFFFFFFE, s1  }
0xa7: {  	p0 =	sne.s32 s1, s6  }
0xa8: {  	s6 =	sshll.u32 @p0 s6, $0xE  }
0xa9: {  	s6 =	sadd.s32 @p0 $0x11B8D, s6;
	s7 =	sshll.u32 @p0 s5, $0x11  }
0xaa: {  	s6 =	sor.u32 @p0 s7, s6  }
0xab: {  	[sflag:s6] =	ssyncadd.remote.s32 @p0 $0x1;
	_ =	sdelay $0x1  }
0xac: {  	s6 =	simm.s32 @p0 $0x1B8D  }
0xad: {  	_ =	swait.eq @p0 [sflag:s6], $0x1  }
0xae: {  	[sflag:s6] =	ssyncadd.s32 @p0 $0xFFFFFFFF  }
0xaf: {  	s7 =	sshll.u32 @!p0 s1, $0xE  }
0xb0: {  	s7 =	sor.u32 @!p0 $0x4000, s7;
	s6 =	simm.s32 @!p0 $0x1B8D  }
0xb1: {  	s5 =	sshll.u32 @!p0 s5, $0x11;
	s7 =	sadd.s32 @!p0 $0x11B8D, s7;
	_ =	swait.eq @!p0 [sflag:s6], $0x1  }
0xb2: {  	s5 =	sor.u32 @!p0 s5, s7;
	[sflag:s6] =	ssyncadd.s32 @!p0 $0xFFFFFFFF  }
0xb3: {  	s25 =	simm.s32 $0x1B8E;
	s24 =	sld [smem:$0x3FFE];
	[sflag:s5] =	ssyncadd.remote.s32 @!p0 $0x1  }
0xb4: {  	s26 =	simm.s32 $execute0_lowered;
	[smem:$0x3FD2] =	sst s25  }
0xb5: {  	s6 =	sshll.u32 s26, $0x1;
	_ =	strace $0x8000004C;
	[dreg:$0x1] =	wrdreg $0xFFFFFFFF  }
0xb6: {  	s28 =	simm.s32 $_size_execute0_lowered;
	s4 =	sadd.s32 s4, s6;
	[dreg:$0x0] =	wrdreg $0x0  }
0xb7: {  	s6 =	sshll.u32 s28, $0x1;
	[dreg:$0x2] =	wrdreg s4  }
0xb8: {  	[dreg:$0x3] =	wrdreg s6  }
0xb9: {  	[dreg:$0x4] =	wrdreg $0xC0  }
0xba: {  	_ =	task [dreg:s22], $0x5FFFF  }
0xbb: {  	[dreg:$0x1] =	wrdreg $0xFFFFFFFF  }
0xbc: {  	[dreg:$0x0] =	wrdreg $0x60  }
0xbd: {  	[dreg:$0x2] =	wrdreg s24  }
0xbe: {  	[dreg:$0x3] =	wrdreg s18  }
0xbf: {  	[dreg:$0x4] =	wrdreg $0x9  }
0xc0: {  	_ =	task.clear_ibuf [dreg:s22], $0x5FFFF;
	_ =	strace $0x9000004C  }
0xc1: {  	s29 =	simm.s32 $0x9;
	_ =	strace $0x8000004E  }
0xc2: {  	_ =	swait.ge [sflag:s29], $0x1  }
0xc3: {  	[sflag:s29] =	ssyncadd.s32 $0xFFFFFFFF  }
0xc4: {  	_ =	strace $0x9000004E  }
0xc5: {  	_ =	sfence  }
0xc6: {  	s30 =	sld [smem:$0x0];
	_ =	sdelay $0x2  }
0xc7: {  	s31 =	sshll.u32 s1, $0xD;
	s1 =	sshrl.u32 s1, $0x2  }
0xc8: {  	s4 =	sand.u32 $0x4000, s31;
	s1 =	sadd.s32 s1, s30  }
0xc9: {  	s0 =	sor.u32 s4, s0;
	s1 =	sshll.u32 s1, $0x11  }
0xca: {  	s0 =	sor.u32 s1, s0  }
0xcb: {  	s0 =	sadd.s32 $0x8F2B, s0  }
0xcc: {  	[sflag:s0] =	ssyncadd.remote.s32 $0x1  }
0xcd: {  	_ =	sfence.sel $0xFFFF  }
0xce: {  	[dreg:$0x0] =	wrdreg $0xFFFFFFFF;
	(pc) =	sbr.abs _section_cstart, $3  }
0xcf: {  	[dreg:$0x1] =	wrdreg $0xFFFFFFFF  }
0xd0: {  	_ =	task.clear_ibuf [dreg:s22], $0x2FFFF;
	_ =	strace $0x9FFFFFFF  }
0xd1: {  	(tm) =	ssettm $0x7FFFFFFF  }
tec
execute0_lowered:
.L_overlay_start_1:
0x0: {  	(tag) =	ssettag $0x1  }
0x1: {  	s7 =	rddreg [dreg:$0x0]  }
0x2: {  	s2 =	rddreg [dreg:$0x1]  }
0x3: {  	s0 =	rddreg [dreg:$0x2]  }
0x4: {  	s1 =	srdreg.scid;
	_ =	strace $0x8000004D;
	s4 =	simm.s32 $0x1  }
0x5: {  	s9 =	simm.s32 $0x3;
	s11 =	simm.s32 $0x0;
	s5 =	sshll.u32 s1, $0x4  }
.Ltmp0:
0x6: {  	s1 =	stileid.u32;
	s5 =	sand.u32 $0x10, s5;
	(pc) =	sbr.rel .LBB2_1-.Ltmp0, $4  }
0x7: {  	p0 =	por $0x0, $0x0;
	s3 =	sadd.s32 $0xBAC00, s7;
	s6 =	sor.u32 s1, s5  }
0x8: {  	[sflag:s4] =	ssyncpa.u1 $0x0;
	s5 =	simm.s32 $0x2;
	s6 =	sshll.u32 s6, $0x6  }
0x9: {  	s7 =	sadd.s32 $0x42800, s7;
	[sflag:s5] =	ssyncpa.u1 $0x0;
	s8 =	sadd.s32 $0x40, s6  }
0xa: {  	vm0 =	vmmov $0xff;
	vm1 =	vcmask $0x3F20;
	[sflag:s9] =	ssyncpa.u1 $0x0;
	s10 =	smov.u32 s6;
	s9 =	simm.s32 $0x0  }
.LBB2_9:
0xb: {  	p1 =	slt.u32 s9, $0x2;
	s11 =	sadd.s32 $0x20, s10  }
0xc: {  	s13 =	smov.u32 s6;
	s9 =	sadd.s32 $0x1, s9;
	p2 =	slt.s32 s11, s8  }
0xd: {  	s13 =	smov.u32 @p2 s11;
	p2 =	sne.s32 s9, $0x4  }
.Ltmp1:
0xe: {  	_ = 	snop;
	(pc) =	sbr.rel @!p2 .LBB2_10-.Ltmp1, $4  }
0xf: {  	s12 =	simm.s32 @!p1 $0x3  }
0x10: {  	_ =	swait.ge @!p1 [sflag:s12], $0x8000  }
0x11: {  	p0 =	por !p0, !p0;
	[sflag:s12] =	ssyncset.done @!p1 $0x0  }
0x12: {  	s11 =	smov.u32 s10;
	s10 =	smov.u32 s13;
	[sflag:s12] =	ssyncadd.s32 @!p1 $0xFFFF8000  }
.LBB2_1:
0x13: {  	p1 =	sgt.u32 s9, $0x1  }
0x14: {  	s12 =	sshll.u32 @!p1 s9, $0x5;
	s13 =	sshrl.u32 @!p1 s10, $0x3  }
0x15: {  	s14 =	sand.u32 @!p1 $0x7, s10;
	s12 =	sxor.u32 @!p1 $0x20, s12;
	s13 =	sadd.s32 @!p1 s7, s13  }
0x16: {  	[tilespmem:s12], [sflag:$0x2] =	stream.linear.gather @!p1 [hbm4b:s13+s14], $0x20, $0x38;
	[tilespmem:$0x10040] =	vst v63  }
0x17: {  	p1 =	seq.s32 s9, $0x0  }
0x18: {  	p2 =	seq.s32 @!p1 s9, $0x3  }
0x19: {  	p1 =	por p1, p2  }
.Ltmp2:
0x1a: {  	_ = 	snop;
	(pc) =	sbr.rel @p1 .LBB2_9-.Ltmp2, $1  }
0x1b: {  	_ =	sdelay $0x3  }
0x1c: {  	s12 =	simm.s32 $0x1  }
0x1d: {  	_ =	swait.ge [sflag:s5], $0x20;
	s13 =	sand.u32 $0x1, s9;
	s12 =	simm.s32 @!p0 $0x0  }
0x1e: {  	s15 =	simm.s32 $0x0;
	p2 =	por $0x1, $0x1;
	s12 =	sshll.u32 s12, $0x11  }
0x1f: {  	[sflag:s5] =	ssyncset.done $0x0;
	s13 =	sshll.u32 s13, $0x5;
	s14 =	sshrl.u32 s12, $0x2  }
0x20: {  	[sflag:s5] =	ssyncadd.s32 $0xFFFFFFE0;
	s12 =	sor.u32 $0x40, s14;
	s14 =	sadd.s32 $0x40, s14  }
.LBB2_3:
0x21: {  	s16 =	sshll.u32 s15, $0x4  }
0x22: {  	s16 =	sand.u32 $0x3FFFFFF0, s16  }
0x23: {  	s16 =	sadd.s32 s16, s13  }
0x24: {  	v0 =	vld.msk [tilespmem:s16+$0x0 ss:$0x1], $0xffff;
	_ =	sdelay $0x4  }
0x25: {  	vm2 =	vgt.s32 v0, $0x0  }
0x26: {  	v0 =	vnsel vm2, $0x0, v0  }
0x27: {  	v0 =	vmin.u32 v0, $0x16FF  }
0x28: {  	v1 =	vshll.u32 v0, $0x7;
	v0 =	vshll.u32 v0, $0x4  }
0x29: {  	v1 =	vand.u32 $0xFFC00, v1;
	v0 =	vand.u32 $0x70, v0  }
0x2a: {  	v0 =	vor.u32 v0, v1  }
0x2b: {  	s31 =	sshll.u32 s15, $0x10  }
0x2c: {  	s15 =	sshra.s32 s31, $0x2  }
0x2d: {  	s15 =	sadd.s32 s15, s14  }
0x2e: {  	s17 =	sadd.s32 $0x0, s15  }
0x2f: {  	[tilespmem:s17], [sflag:$0x1] =	stream.indirect_vreg.gather [hbm:s3], $0x80, v0, vm0, $0x38;
	[tilespmem:$0x10040] =	vst v63  }
0x30: {  	p1 =	por p2, p2;
	s16 =	simm.s32 $0x1000;
	v1 =	vadd.s32 $0x80, v0;
	s17 =	sadd.s32 $0x2000, s17  }
.LBB2_4:
0x31: {  	[tilespmem:s17], [sflag:$0x1] =	stream.indirect_vreg.gather [hbm:s3], $0x80, v0, vm1, $0x38;
	[tilespmem:$0x10040] =	vst v63  }
0x32: {  	v0 =	vmov v1;
	s17 =	smov.u32 s16;
	p2 =	sne.s32 s16, $0x7000  }
.Ltmp3:
0x33: {  	s16 =	sadd.s32 $0x1000, s16;
	(pc) =	sbr.rel @p2 .LBB2_4-.Ltmp3, $4  }
0x34: {  	s17 =	sshra.s32 s17, $0x2  }
0x35: {  	s17 =	sadd.s32 s17, s15  }
0x36: {  	[tilespmem:s17], [sflag:$0x1] =	stream.indirect_vreg.gather [hbm:s3], $0x80, v1, vm0, $0x38;
	[tilespmem:$0x10040] =	vst v63  }
0x37: {  	s17 =	sadd.s32 $0x2000, s17;
	v1 =	vadd.s32 $0x80, v1  }
0x38: {  	_ = 	snop  }
.Ltmp4:
0x39: {  	_ = 	snop;
	(pc) =	sbr.rel @p1 .LBB2_3-.Ltmp4, $3  }
0x3a: {  	_ =	sdelay $0x1  }
0x3b: {  	[tilespmem:s17], [sflag:$0x1] =	stream.indirect_vreg.gather [hbm:s3], $0x80, v0, vm1, $0x38;
	[tilespmem:$0x10040] =	vst v63  }
0x3c: {  	s15 =	simm.s32 $0x1;
	p2 =	por $0x0, $0x0  }
0x3d: {  	s13 =	sshll.u32 s11, $0x7  }
0x3e: {  	s31 =	sshll.u32 s11, $0x4;
	s13 =	sand.u32 $0xFFFFFC00, s13  }
0x3f: {  	_ =	swait.ge [sflag:s4], $0x8000;
	s11 =	sand.u32 $0x70, s31;
	s13 =	sadd.s32 s13, s2  }
0x40: {  	s14 =	sadd.s32 $0x2000, s12;
	[sflag:s4] =	ssyncset.done $0x0;
	s11 =	sadd.s32 s11, s13  }
0x41: {  	[sflag:s4] =	ssyncadd.s32 $0xFFFF8000;
	s13 =	simm.s32 $0x400;
	s15 =	sadd.s32 $0x0, s11  }
.LBB2_7:
0x42: {  	[hbm:s15] =	stream.linear.scatter [tilespmem:s12], [sflag:$0x3], $0x2000, $0x38;
	[tilespmem:$0x10040] =	vst v63  }
0x43: {  	s15 =	smov.u32 s13;
	s12 =	smov.u32 s14;
	p1 =	sne.s32 s13, $0xC00  }
.Ltmp5:
0x44: {  	s13 =	sadd.s32 $0x400, s13;
	(pc) =	sbr.rel @p1 .LBB2_7-.Ltmp5, $2  }
0x45: {  	_ =	sdelay $0x2  }
0x46: {  	s14 =	sadd.s32 $0x2000, s14;
	s15 =	sadd.s32 s15, s11  }
.Ltmp6:
0x47: {  	(pc) =	sbr.rel .LBB2_9-.Ltmp6, $2  }
0x48: {  	_ =	sdelay $0x2  }
0x49: {  	[hbm:s15] =	stream.linear.scatter [tilespmem:s12], [sflag:$0x3], $0x2000, $0x38;
	[tilespmem:$0x10040] =	vst v63  }
.LBB2_10:
0x4a: {  	_ =	sfence.sel $0x180000  }
0x4b: {  	s2 =	simm.s32 $0x2;
	[bflag:$0x0] =	sbarrier.arrive $0xFFFF  }
0x4c: {  	s30 =	simm.s32 $0x3;
	[sflag:s2] =	ssyncpa.u1 $0x1  }
0x4d: {  	s31 =	simm.s32 $0x1;
	[sflag:s30] =	ssyncpa.u1 $0x1  }
0x4e: {  	[sflag:s31] =	ssyncpa.u1 $0x1  }
0x4f: {  	p0 =	sne.s32 s1, $0x0;
	_ =	strace $0x9000004D  }
0x50: {  	s0 =	sadd.s32 @!p0 $0x100000, s0;
	[bflag:$0x2] =	sbarrier.arrive $0xFFFF  }
0x51: {  	[sflag:s0] =	ssyncadd.tile.s32 @!p0 $0x1;
	_ =	shalt  }
.Lfunc_end2:
_tile_overlayer_lowered:
.L_overlay_start_2:
0x52: {  	(tag) =	ssettag $0x2  }
0x53: {  	s0 =	rddreg [dreg:$0x0];
	s2 =	stileid.u32  }
0x54: {  	s1 =	rddreg [dreg:$0x1];
	p0 =	sne.s32 s2, $0x0  }
0x55: {  	s3 =	rddreg [dreg:$0x2];
	[bflag:$0x3] =	sbarrier.arrive $0xFFFF;
	s2 =	simm.s32 @!p0 $0x1C01  }
0x56: {  	[timem:s3], [sflag:s2] =	dma.local @!p0 [hbm:s0], s1  }
0x57: {  	s0 =	simm.s32 @!p0 $0x1  }
0x58: {  	_ =	swait.ge @!p0 [sflag:s0], s1  }
0x59: {  	s1 =	ssub.s32 @!p0 $0x0, s1;
	[sflag:s0] =	ssyncset.done @!p0 $0x0  }
0x5a: {  	[sflag:s0] =	ssyncadd.s32 @!p0 s1  }
0x5b: {  	[bflag:$0x3] =	sbarrier.arrive $0xFFFF  }
0x5c: {  	_ =	shalt  }

// kernel: kernel.7.cloned.1.call-start
scs
__scs_entry_jumppad:
0x0: {  	(pc) =	sbr.rel $0x88, $3  }
0x1: {  	(tag) =	ssettag $0x0;
	lr =	simm.s32 $0x1  }
0x2: {  	[smem:$0x3F98] =	sst lr;
	_ =	strace $0xD0000000  }
0x3: {  	_ = 	snop  }
0x4: {  	_ = 	snop  }
0x5: {  	_ = 	snop  }
0x6: {  	_ = 	snop  }
0x7: {  	_ = 	snop  }
__scs_overlays_trampoline_lowered:
0x8: {  	[smem:$0x3FA7] =	sst s0  }
0x9: {  	[smem:$0x3FA8] =	sst s1  }
0xa: {  	[smem:$0x3FA9] =	sst s2  }
0xb: {  	[smem:$0x3FAA] =	sst s3  }
0xc: {  	[smem:$0x3FAB] =	sst s4  }
0xd: {  	[smem:$0x3FAC] =	sst s5  }
0xe: {  	[smem:$0x3FAD] =	sst s6  }
0xf: {  	[smem:$0x3FAE] =	sst s7  }
0x10: {  	[smem:$0x3FAF] =	sst s8  }
0x11: {  	[smem:$0x3FB0] =	sst s9;
	s0 =	simm.s32 @!p0 $0x0  }
0x12: {  	s1 =	sld [smem:$0x3F96];
	s0 =	simm.s32 @p0 $0x1  }
0x13: {  	[smem:$0x3FB1] =	sst s0;
	s0 =	simm.s32 @!p1 $0x0  }
0x14: {  	s2 =	sld [smem:$0x3F95];
	s0 =	simm.s32 @p1 $0x1  }
0x15: {  	[smem:$0x3FB2] =	sst s0;
	s0 =	simm.s32 @!p2 $0x0  }
0x16: {  	s3 =	sld [smem:$0x3FDB];
	s0 =	simm.s32 @p2 $0x1  }
0x17: {  	s4 =	simm.s32 $0x1BF5;
	[smem:$0x3FB4] =	sst s0  }
0x18: {  	s0 =	sld [smem:$0x3F97];
	_ =	swait.ge [sflag:s4], $0x0  }
0x19: {  	s7 =	sld [smem:$0x3F98]  }
0x1a: {  	s8 =	sadd.s32 $0xFFFFE003, lr  }
0x1b: {  	s9 =	sadd.s32 $0xFFFFFEF7, lr;
	s5 =	simm.s32 $0xFFFFFFFF;
	p2 =	slt.u32 s8, $0xFFFFF086  }
0x1c: {  	p1 =	slt.u32 s9, $0xF7A;
	s5 =	simm.s32 @!p2 $0x0  }
0x1d: {  	s5 =	simm.s32 @p1 $0x1;
	p0 =	seq.s32 s7, s2  }
0x1e: {  	s7 =	smul.u32 @!p0 $0xF7A, s2;
	p2 =	seq.s32 @!p0 s5, $0x0  }
0x1f: {  	s9 =	smul.u32 $0xF7A, s1;
	s8 =	simm.s32 @!p0 $0x1BF5;
	p2 =	por !p2, p0  }
0x20: {  	[sflag:s8] =	ssyncset.s32 @!p0 $0xFFFFF086;
	s6 =	sadd.s32 @!p0 s3, s7;
	s7 =	simm.s32 @!p0 $0x108  }
0x21: {  	s3 =	sadd.s32 s3, s9;
	s6 =	sadd.s32 @!p0 $0x88, s6;
	s7 =	simm.s32 @p2 $0x1082  }
0x22: {  	[simem:s7], [sflag:s8] =	dma.local @!p0 [hbm:s6], $0xF7A  }
0x23: {  	s9 =	sor.u32 $0xD0000000, s2;
	s6 =	simm.s32 $0x108;
	_ =	swait.ge @!p0 [sflag:s8], $0x0  }
0x24: {  	s3 =	sadd.s32 $0x88, s3;
	s6 =	simm.s32 @!p1 $0x1082;
	[sflag:s4] =	ssyncset.s32 $0xFFFFF086  }
0x25: {  	[simem:s6], [sflag:s4] =	dma.local [hbm:s3], $0xF7A  }
0x26: {  	[smem:$0x3F98] =	sst s1;
	(tag) =	ssettag s2;
	_ =	strace s9  }
0x27: {  	s1 =	sld [smem:$0x3FA8]  }
0x28: {  	s2 =	sld [smem:$0x3FA9]  }
0x29: {  	s4 =	sld [smem:$0x3FAB]  }
0x2a: {  	p0 =	seq.s32 s5, $0x0;
	s5 =	sld [smem:$0x3FAC]  }
0x2b: {  	s6 =	sld [smem:$0x3FAD]  }
0x2c: {  	s7 =	sld [smem:$0x3FAE]  }
0x2d: {  	s3 =	simm.s32 $0x108;
	s8 =	sld [smem:$0x3FAF]  }
0x2e: {  	s3 =	simm.s32 @!p0 $0x1082;
	s9 =	sld [smem:$0x3FB0]  }
0x2f: {  	lr =	sadd.s32 s0, s3;
	s0 =	sld [smem:$0x3FA7]  }
0x30: {  	s3 =	sld [smem:$0x3FAA]  }
0x31: {  	[smem:$0x3FB3] =	sst s10  }
0x32: {  	s10 =	sld [smem:$0x3FB1];
	_ =	sdelay $0x3  }
0x33: {  	p0 =	seq.s32 s10, $0x1;
	s10 =	sld [smem:$0x3FB3];
	_ =	sdelay $0x3  }
0x34: {  	[smem:$0x3FB3] =	sst s10  }
0x35: {  	s10 =	sld [smem:$0x3FB2];
	_ =	sdelay $0x3  }
0x36: {  	p1 =	seq.s32 s10, $0x1;
	s10 =	sld [smem:$0x3FB3];
	_ =	sdelay $0x3  }
0x37: {  	[smem:$0x3FB3] =	sst s10  }
0x38: {  	s10 =	sld [smem:$0x3FB4]  }
0x39: {  	_ = 	snop;
	(pc) =	sbr.ind lr, $3  }
0x3a: {  	_ = 	snop  }
0x3b: {  	_ = 	snop  }
0x3c: {  	p2 =	seq.s32 s10, $0x1;
	s10 =	sld [smem:$0x3FB3]  }
0x3d: {  	_ =	shalt  }
0x3e: {  	_ =	shalt  }
0x3f: {  	_ =	shalt  }
0x40: {  	_ =	shalt  }
0x41: {  	_ =	shalt  }
0x42: {  	_ =	shalt  }
0x43: {  	_ =	shalt  }
0x44: {  	_ =	shalt  }
0x45: {  	_ =	shalt  }
0x46: {  	_ =	shalt  }
0x47: {  	_ =	shalt  }
0x48: {  	_ =	shalt  }
0x49: {  	_ =	shalt  }
0x4a: {  	_ =	shalt  }
0x4b: {  	_ =	shalt  }
0x4c: {  	_ =	shalt  }
0x4d: {  	_ =	shalt  }
0x4e: {  	_ =	shalt  }
0x4f: {  	_ =	shalt  }
0x50: {  	_ =	shalt  }
0x51: {  	_ =	shalt  }
0x52: {  	_ =	shalt  }
0x53: {  	_ =	shalt  }
0x54: {  	_ =	shalt  }
0x55: {  	_ =	shalt  }
0x56: {  	_ =	shalt  }
0x57: {  	_ =	shalt  }
0x58: {  	_ =	shalt  }
0x59: {  	_ =	shalt  }
0x5a: {  	_ =	shalt  }
0x5b: {  	_ =	shalt  }
0x5c: {  	_ =	shalt  }
0x5d: {  	_ =	shalt  }
0x5e: {  	_ =	shalt  }
0x5f: {  	_ =	shalt  }
0x60: {  	_ =	shalt  }
0x61: {  	_ =	shalt  }
0x62: {  	_ =	shalt  }
0x63: {  	_ =	shalt  }
0x64: {  	_ =	shalt  }
0x65: {  	_ =	shalt  }
0x66: {  	_ =	shalt  }
0x67: {  	_ =	shalt  }
0x68: {  	_ =	shalt  }
0x69: {  	_ =	shalt  }
0x6a: {  	_ =	shalt  }
0x6b: {  	_ =	shalt  }
0x6c: {  	_ =	shalt  }
0x6d: {  	_ =	shalt  }
0x6e: {  	_ =	shalt  }
0x6f: {  	_ =	shalt  }
0x70: {  	_ =	shalt  }
0x71: {  	_ =	shalt  }
0x72: {  	_ =	shalt  }
0x73: {  	_ =	shalt  }
0x74: {  	_ =	shalt  }
0x75: {  	_ =	shalt  }
0x76: {  	_ =	shalt  }
0x77: {  	_ =	shalt  }
0x78: {  	_ =	shalt  }
0x79: {  	_ =	shalt  }
0x7a: {  	_ =	shalt  }
0x7b: {  	_ =	shalt  }
0x7c: {  	_ =	shalt  }
0x7d: {  	_ =	shalt  }
0x7e: {  	_ =	shalt  }
0x7f: {  	_ =	shalt  }
0x80: {  	_ =	shalt  }
0x81: {  	_ =	shalt  }
0x82: {  	_ =	shalt  }
0x83: {  	_ =	shalt  }
0x84: {  	_ =	shalt  }
0x85: {  	_ =	shalt  }
0x86: {  	_ =	shalt  }
0x87: {  	_ =	shalt  }
.Lfunc_end0:
.L_simem_size_0:
called_computation.2_lowered:
.L_overlay_start_0:
0x88: {  	s2 =	sld [smem:$0x3FD9]  }
0x89: {  	s3 =	sld [smem:$0x3FFE];
	_ =	sdelay $0x1  }
0x8a: {  	s1 =	srdreg.scid  }
0x8b: {  	s0 =	sand.u32 $0x1, s1  }
0x8c: {  	s17 =	sshll.u32 s0, $0xA;
	s2 =	sadd.s32 s3, s2  }
0x8d: {  	s2 =	sadd.s32 s2, s17  }
0x8e: {  	[smem:$0x3FBF] =	sst s2  }
0x8f: {  	_ = 	snop  }
0x90: {  	s2 =	sld [smem:$0x3FC9]  }
0x91: {  	s18 =	sld [smem:$0x3FD0];
	(tm) =	ssettm $0x1  }
0x92: {  	s4 =	sld [smem:$0x3FFB];
	_ =	sdelay $0x3  }
0x93: {  	_ =	strace s4  }
0x94: {  	s4 =	sld [smem:$0x3FFC];
	_ =	sdelay $0x3  }
0x95: {  	_ =	strace s4  }
0x96: {  	s4 =	sld [smem:$0x3FFD];
	_ =	sdelay $0x3  }
0x97: {  	_ =	strace s4  }
0x98: {  	_ =	strace $0x8FFFFFFF  }
0x99: {  	s19 =	sld [smem:$0x3FDB];
	_ =	sdelay $0x1  }
0x9a: {  	s5 =	simm.s32 $_scs_section_size  }
0x9b: {  	s6 =	simm.s32 $_size__tile_overlayer_lowered;
	s7 =	simm.s32 $_tile_overlayer_lowered  }
0x9c: {  	s22 =	simm.s32 $0x1BFF;
	s21 =	sshll.u32 s7, $0x1;
	s4 =	sadd.s32 s5, s19  }
0x9d: {  	s8 =	simm.s32 $0x0;
	s20 =	sshll.u32 s6, $0x1;
	s6 =	sadd.s32 s21, s4  }
0x9e: {  	[timem:s8], [sflag:s22] =	dma.local [hbm:s6], s20  }
0x9f: {  	_ =	swait.ge [sflag:s22], s20  }
0xa0: {  	s5 =	ssub.s32 $0x0, s20;
	[sflag:s22] =	ssyncset.done $0x0  }
0xa1: {  	[sflag:s22] =	ssyncadd.s32 s5;
	_ =	sdelay $0x1  }
0xa2: {  	s23 =	simm.s32 $0x1B8B  }
0xa3: {  	_ =	swait.ge [sflag:s23], $0x1  }
0xa4: {  	[sflag:s23] =	ssyncset.done $0x0  }
0xa5: {  	s25 =	simm.s32 $0x1B8E;
	s24 =	sld [smem:$0x3FFE];
	[sflag:s23] =	ssyncadd.s32 $0xFFFFFFFF  }
0xa6: {  	s26 =	simm.s32 $execute0_lowered;
	[smem:$0x3FD2] =	sst s25  }
0xa7: {  	s6 =	sshll.u32 s26, $0x1;
	_ =	strace $0x80000046;
	[dreg:$0x1] =	wrdreg $0xFFFFFFFF  }
0xa8: {  	s28 =	simm.s32 $_size_execute0_lowered;
	s4 =	sadd.s32 s4, s6;
	[dreg:$0x0] =	wrdreg $0x0  }
0xa9: {  	s6 =	sshll.u32 s28, $0x1;
	[dreg:$0x2] =	wrdreg s4  }
0xaa: {  	[dreg:$0x3] =	wrdreg s6  }
0xab: {  	[dreg:$0x4] =	wrdreg $0xC0  }
0xac: {  	_ =	task [dreg:s8], $0x5FFFF  }
0xad: {  	[dreg:$0x1] =	wrdreg $0xFFFFFFFF  }
0xae: {  	[dreg:$0x0] =	wrdreg $0x60  }
0xaf: {  	[dreg:$0x2] =	wrdreg s2  }
0xb0: {  	[dreg:$0x3] =	wrdreg s18  }
0xb1: {  	[dreg:$0x4] =	wrdreg s24  }
0xb2: {  	[dreg:$0x5] =	wrdreg $0x9  }
0xb3: {  	_ =	task.clear_ibuf [dreg:s8], $0x6FFFF;
	_ =	strace $0x90000046  }
0xb4: {  	s29 =	simm.s32 $0x9;
	_ =	strace $0x80000048  }
0xb5: {  	_ =	swait.ge [sflag:s29], $0x1  }
0xb6: {  	[sflag:s29] =	ssyncadd.s32 $0xFFFFFFFF  }
0xb7: {  	_ =	strace $0x90000048  }
0xb8: {  	_ =	sfence  }
0xb9: {  	s30 =	sld [smem:$0x0];
	_ =	sdelay $0x2  }
0xba: {  	s31 =	sshll.u32 s1, $0xD;
	s1 =	sshrl.u32 s1, $0x2  }
0xbb: {  	s3 =	sand.u32 $0x4000, s31;
	s1 =	sadd.s32 s1, s30  }
0xbc: {  	s0 =	sor.u32 s3, s0;
	s1 =	sshll.u32 s1, $0x11  }
0xbd: {  	s0 =	sor.u32 s1, s0  }
0xbe: {  	s0 =	sadd.s32 $0x8F2B, s0  }
0xbf: {  	[sflag:s0] =	ssyncadd.remote.s32 $0x1  }
0xc0: {  	_ =	sfence.sel $0xFFFF  }
0xc1: {  	[dreg:$0x0] =	wrdreg $0xFFFFFFFF;
	(pc) =	sbr.abs _section_cstart, $3  }
0xc2: {  	[dreg:$0x1] =	wrdreg $0xFFFFFFFF  }
0xc3: {  	_ =	task.clear_ibuf [dreg:s8], $0x2FFFF;
	_ =	strace $0x9FFFFFFF  }
0xc4: {  	(tm) =	ssettm $0x7FFFFFFF  }
0xc5: {  	_ =	shalt  }
tec
execute0_lowered:
.L_overlay_start_1:
0x0: {  	(tag) =	ssettag $0x1  }
0x1: {  	s0 =	rddreg [dreg:$0x0];
	s1 =	srdreg.scid  }
0x2: {  	s4 =	rddreg [dreg:$0x1];
	s2 =	stileid.u32  }
0x3: {  	s6 =	rddreg [dreg:$0x2];
	s26 =	simm.s32 $0x80;
	s18 =	simm.s32 $0x100  }
0x4: {  	s22 =	simm.s32 $0x1900;
	s23 =	simm.s32 $0x2100;
	s24 =	simm.s32 $0x2900  }
0x5: {  	s28 =	simm.s32 $0x4100;
	s29 =	simm.s32 $0x4900;
	s30 =	simm.s32 $0x5100  }
0x6: {  	s31 =	simm.s32 $0x5900;
	s10 =	simm.s32 $0x7100;
	s11 =	simm.s32 $0x7900  }
0x7: {  	s12 =	simm.s32 $0x8100;
	s13 =	simm.s32 $0x8900;
	s14 =	simm.s32 $0x9100  }
0x8: {  	s15 =	simm.s32 $0x9900;
	s16 =	simm.s32 $0xA100;
	s17 =	simm.s32 $0xA900  }
0x9: {  	s1 =	sand.u32 $0x1, s1;
	s5 =	sshll.u32 s2, $0x6;
	s2 =	simm.s32 $0x0  }
0xa: {  	s19 =	simm.s32 $0xB900;
	s3 =	sshll.u32 s1, $0xA;
	[smem:$0x7FF] =	sst s2  }
0xb: {  	s1 =	ssub.s32 $0x2, s1;
	s5 =	sor.u32 s5, s3;
	_ =	strace $0x80000047  }
0xc: {  	s3 =	sadd.s32 $0x2A00, s6;
	s9 =	sshrl.u32 s1, $0x1;
	[dreg:$0x7] =	wrdreg s26  }
0xd: {  	s26 =	simm.s32 $0x3900;
	s7 =	sshrl.u32 s5, $0x3;
	s5 =	sshll.u32 s5, $0x7  }
0xe: {  	s1 =	ssub.s32 s1, s9;
	s9 =	simm.s32 $0xB100;
	s8 =	sadd.s32 s7, s6  }
0xf: {  	s4 =	sadd.s32 s4, s7;
	s0 =	sadd.s32 s0, s5;
	s5 =	sadd.s32 $0x2C00, s6  }
0x10: {  	v2 =	vlaneseq.u32;
	s7 =	smax.u32 s1, $0x1;
	[dreg:$0x4] =	wrdreg s4;
	s25 =	sadd.s32 $0x2800, s8  }
0x11: {  	vm0 =	vmmov $0xffff;
	v1 =	vshrl.u32 v2, $0x3;
	[dreg:$0x6] =	wrdreg s0;
	s4 =	sadd.s32 $0x2B00, s6;
	s6 =	sadd.s32 $0x2D00, s6  }
0x12: {  	v0 =	vand.u32 $0x7, v2;
	v2 =	vor.u32 $0x8, v2;
	v1 =	vmul.u32 $0x8, v1;
	s8 =	simm.s32 $0x3;
	[dreg:$0x5] =	wrdreg s25;
	s25 =	simm.s32 $0x3100  }
.LBB2_1:
0x13: {  	s20 =	rddreg [dreg:$0x4]  }
0x14: {  	[tilespmem:s2], [sflag:$0x3] =	stream.linear.gather [hbm4b:s20+s2], $0x40, $0x38;
	[tilespmem:$0x10100] =	vst v63  }
0x15: {  	_ =	swait.ge [sflag:s8], $0x40  }
0x16: {  	s0 =	rddreg [dreg:$0x5];
	[sflag:s8] =	ssyncset.done $0x0  }
0x17: {  	s21 =	rddreg [dreg:$0x7];
	[sflag:s8] =	ssyncadd.s32 $0xFFFFFFC0  }
0x18: {  	[tilespmem:s21], [sflag:$0x3] =	stream.linear.gather [hbm4b:s0+s2], $0x40, $0x38;
	[tilespmem:$0x10100] =	vst v63  }
0x19: {  	_ =	swait.ge [sflag:s8], $0x40  }
0x1a: {  	[sflag:s8] =	ssyncset.done $0x0  }
0x1b: {  	s1 =	rddreg [dreg:$0x6];
	[sflag:s8] =	ssyncadd.s32 $0xFFFFFFC0  }
0x1c: {  	[tilespmem:s18], [sflag:$0x3] =	stream.linear.gather [hbm4b:s1+s2], $0x10000, $0x38;
	[tilespmem:$0x10100] =	vst v63  }
0x1d: {  	_ =	swait.ge [sflag:s8], $0x10000  }
0x1e: {  	[sflag:s8] =	ssyncset.done $0x0  }
0x1f: {  	[sflag:s8] =	ssyncadd.s32 $0xFFFF0000  }
0x20: {  	v3 =	vld [tilespmem:$0x0];
	_ =	sdelay $0x4  }
0x21: {  	v4 =	vshll.u32 v3, $0x3  }
0x22: {  	v3 =	vand.u32 $0x7, v3;
	v4 =	vand.u32 $0xFFFFFFC0, v4  }
0x23: {  	v3 =	vor.u32 v3, v4  }
0x24: {  	v4 =	vperm.xlane v3, v0;
	_ =	sdelay $0x1  }
0x25: {  	v4 =	vadd.s32 v1, v4;
	_ =	sdelay $0x4  }
0x26: {  	[hbm4b:s3+s2] =	stream.indirect_vreg.scatter [tilespmem:s18], [sflag:$0x1], $0x80, v4, vm0, $0xb8;
	[tilespmem:$0x10100] =	vst v63  }
0x27: {  	s20 =	simm.s32 $0x900;
	v3 =	vperm.xlane v3, v2  }
0x28: {  	[hbm4b:s4+s2] =	stream.indirect_vreg.scatter [tilespmem:s20], [sflag:$0x1], $0x80, v4, vm0, $0xb8;
	[tilespmem:$0x10100] =	vst v63  }
0x29: {  	s21 =	simm.s32 $0x1100;
	v3 =	vadd.s32 v1, v3  }
0x2a: {  	[hbm4b:s5+s2] =	stream.indirect_vreg.scatter [tilespmem:s21], [sflag:$0x1], $0x80, v4, vm0, $0xb8;
	[tilespmem:$0x10100] =	vst v63  }
0x2b: {  	_ = 	snop  }
0x2c: {  	[hbm4b:s6+s2] =	stream.indirect_vreg.scatter [tilespmem:s22], [sflag:$0x1], $0x80, v4, vm0, $0xb8;
	[tilespmem:$0x10100] =	vst v63  }
0x2d: {  	_ = 	snop  }
0x2e: {  	[hbm4b:s3+s2] =	stream.indirect_vreg.scatter [tilespmem:s23], [sflag:$0x1], $0x80, v3, vm0, $0xb8;
	[tilespmem:$0x10100] =	vst v63  }
0x2f: {  	_ = 	snop  }
0x30: {  	[hbm4b:s4+s2] =	stream.indirect_vreg.scatter [tilespmem:s24], [sflag:$0x1], $0x80, v3, vm0, $0xb8;
	[tilespmem:$0x10100] =	vst v63  }
0x31: {  	_ = 	snop  }
0x32: {  	[hbm4b:s5+s2] =	stream.indirect_vreg.scatter [tilespmem:s25], [sflag:$0x1], $0x80, v3, vm0, $0xb8;
	[tilespmem:$0x10100] =	vst v63  }
0x33: {  	_ = 	snop  }
0x34: {  	[hbm4b:s6+s2] =	stream.indirect_vreg.scatter [tilespmem:s26], [sflag:$0x1], $0x80, v3, vm0, $0xb8;
	[tilespmem:$0x10100] =	vst v63  }
0x35: {  	v3 =	vld [tilespmem:$0x10];
	_ =	sdelay $0x4  }
0x36: {  	v57 =	vshll.u32 v3, $0x3  }
0x37: {  	v3 =	vand.u32 $0x7, v3;
	v4 =	vand.u32 $0xFFFFFFC0, v57  }
0x38: {  	v3 =	vor.u32 v3, v4  }
0x39: {  	v4 =	vperm.xlane v3, v0;
	_ =	sdelay $0x1  }
0x3a: {  	v4 =	vadd.s32 v1, v4;
	_ =	sdelay $0x4  }
0x3b: {  	[hbm4b:s3+s2] =	stream.indirect_vreg.scatter [tilespmem:s28], [sflag:$0x1], $0x80, v4, vm0, $0xb8;
	[tilespmem:$0x10100] =	vst v63  }
0x3c: {  	v3 =	vperm.xlane v3, v2  }
0x3d: {  	[hbm4b:s4+s2] =	stream.indirect_vreg.scatter [tilespmem:s29], [sflag:$0x1], $0x80, v4, vm0, $0xb8;
	[tilespmem:$0x10100] =	vst v63  }
0x3e: {  	v3 =	vadd.s32 v1, v3  }
0x3f: {  	[hbm4b:s5+s2] =	stream.indirect_vreg.scatter [tilespmem:s30], [sflag:$0x1], $0x80, v4, vm0, $0xb8;
	[tilespmem:$0x10100] =	vst v63  }
0x40: {  	_ = 	snop  }
0x41: {  	[hbm4b:s6+s2] =	stream.indirect_vreg.scatter [tilespmem:s31], [sflag:$0x1], $0x80, v4, vm0, $0xb8;
	[tilespmem:$0x10100] =	vst v63  }
0x42: {  	s1 =	simm.s32 $0x6100  }
0x43: {  	[hbm4b:s3+s2] =	stream.indirect_vreg.scatter [tilespmem:s1], [sflag:$0x1], $0x80, v3, vm0, $0xb8;
	[tilespmem:$0x10100] =	vst v63  }
0x44: {  	s0 =	simm.s32 $0x6900  }
0x45: {  	[hbm4b:s4+s2] =	stream.indirect_vreg.scatter [tilespmem:s0], [sflag:$0x1], $0x80, v3, vm0, $0xb8;
	[tilespmem:$0x10100] =	vst v63  }
0x46: {  	_ = 	snop  }
0x47: {  	[hbm4b:s5+s2] =	stream.indirect_vreg.scatter [tilespmem:s10], [sflag:$0x1], $0x80, v3, vm0, $0xb8;
	[tilespmem:$0x10100] =	vst v63  }
0x48: {  	_ = 	snop  }
0x49: {  	[hbm4b:s6+s2] =	stream.indirect_vreg.scatter [tilespmem:s11], [sflag:$0x1], $0x80, v3, vm0, $0xb8;
	[tilespmem:$0x10100] =	vst v63  }
0x4a: {  	v3 =	vld [tilespmem:$0x20];
	_ =	sdelay $0x4  }
0x4b: {  	v58 =	vshll.u32 v3, $0x3  }
0x4c: {  	v3 =	vand.u32 $0x7, v3;
	v4 =	vand.u32 $0xFFFFFFC0, v58  }
0x4d: {  	v3 =	vor.u32 v3, v4  }
0x4e: {  	v4 =	vperm.xlane v3, v0;
	_ =	sdelay $0x1  }
0x4f: {  	v4 =	vadd.s32 v1, v4;
	_ =	sdelay $0x4  }
0x50: {  	[hbm4b:s3+s2] =	stream.indirect_vreg.scatter [tilespmem:s12], [sflag:$0x1], $0x80, v4, vm0, $0xb8;
	[tilespmem:$0x10100] =	vst v63  }
0x51: {  	v3 =	vperm.xlane v3, v2  }
0x52: {  	[hbm4b:s4+s2] =	stream.indirect_vreg.scatter [tilespmem:s13], [sflag:$0x1], $0x80, v4, vm0, $0xb8;
	[tilespmem:$0x10100] =	vst v63  }
0x53: {  	v3 =	vadd.s32 v1, v3  }
0x54: {  	[hbm4b:s5+s2] =	stream.indirect_vreg.scatter [tilespmem:s14], [sflag:$0x1], $0x80, v4, vm0, $0xb8;
	[tilespmem:$0x10100] =	vst v63  }
0x55: {  	_ = 	snop  }
0x56: {  	[hbm4b:s6+s2] =	stream.indirect_vreg.scatter [tilespmem:s15], [sflag:$0x1], $0x80, v4, vm0, $0xb8;
	[tilespmem:$0x10100] =	vst v63  }
0x57: {  	_ = 	snop  }
0x58: {  	[hbm4b:s3+s2] =	stream.indirect_vreg.scatter [tilespmem:s16], [sflag:$0x1], $0x80, v3, vm0, $0xb8;
	[tilespmem:$0x10100] =	vst v63  }
0x59: {  	_ = 	snop  }
0x5a: {  	[hbm4b:s4+s2] =	stream.indirect_vreg.scatter [tilespmem:s17], [sflag:$0x1], $0x80, v3, vm0, $0xb8;
	[tilespmem:$0x10100] =	vst v63  }
0x5b: {  	_ = 	snop  }
0x5c: {  	[hbm4b:s5+s2] =	stream.indirect_vreg.scatter [tilespmem:s9], [sflag:$0x1], $0x80, v3, vm0, $0xb8;
	[tilespmem:$0x10100] =	vst v63  }
0x5d: {  	_ = 	snop  }
0x5e: {  	[hbm4b:s6+s2] =	stream.indirect_vreg.scatter [tilespmem:s19], [sflag:$0x1], $0x80, v3, vm0, $0xb8;
	[tilespmem:$0x10100] =	vst v63  }
0x5f: {  	v3 =	vld [tilespmem:$0x30];
	_ =	sdelay $0x4  }
0x60: {  	v59 =	vshll.u32 v3, $0x3  }
0x61: {  	v3 =	vand.u32 $0x7, v3;
	v4 =	vand.u32 $0xFFFFFFC0, v59  }
0x62: {  	v3 =	vor.u32 v3, v4  }
0x63: {  	v4 =	vperm.xlane v3, v0;
	_ =	sdelay $0x1  }
0x64: {  	v4 =	vadd.s32 v1, v4;
	_ =	sdelay $0x3  }
0x65: {  	s0 =	simm.s32 $0xC100  }
0x66: {  	[hbm4b:s3+s2] =	stream.indirect_vreg.scatter [tilespmem:s0], [sflag:$0x1], $0x80, v4, vm0, $0xb8;
	[tilespmem:$0x10100] =	vst v63  }
0x67: {  	v3 =	vperm.xlane v3, v2;
	s0 =	simm.s32 $0xC900  }
0x68: {  	[hbm4b:s4+s2] =	stream.indirect_vreg.scatter [tilespmem:s0], [sflag:$0x1], $0x80, v4, vm0, $0xb8;
	[tilespmem:$0x10100] =	vst v63  }
0x69: {  	v3 =	vadd.s32 v1, v3;
	s0 =	simm.s32 $0xD100  }
0x6a: {  	[hbm4b:s5+s2] =	stream.indirect_vreg.scatter [tilespmem:s0], [sflag:$0x1], $0x80, v4, vm0, $0xb8;
	[tilespmem:$0x10100] =	vst v63  }
0x6b: {  	s0 =	simm.s32 $0xD900  }
0x6c: {  	[hbm4b:s6+s2] =	stream.indirect_vreg.scatter [tilespmem:s0], [sflag:$0x1], $0x80, v4, vm0, $0xb8;
	[tilespmem:$0x10100] =	vst v63  }
0x6d: {  	s0 =	simm.s32 $0xE100  }
0x6e: {  	[hbm4b:s3+s2] =	stream.indirect_vreg.scatter [tilespmem:s0], [sflag:$0x1], $0x80, v3, vm0, $0xb8;
	[tilespmem:$0x10100] =	vst v63  }
0x6f: {  	s0 =	simm.s32 $0xE900  }
0x70: {  	[hbm4b:s4+s2] =	stream.indirect_vreg.scatter [tilespmem:s0], [sflag:$0x1], $0x80, v3, vm0, $0xb8;
	[tilespmem:$0x10100] =	vst v63  }
0x71: {  	s0 =	simm.s32 $0xF100  }
0x72: {  	[hbm4b:s5+s2] =	stream.indirect_vreg.scatter [tilespmem:s0], [sflag:$0x1], $0x80, v3, vm0, $0xb8;
	[tilespmem:$0x10100] =	vst v63  }
0x73: {  	s0 =	simm.s32 $0xF900  }
0x74: {  	[hbm4b:s6+s2] =	stream.indirect_vreg.scatter [tilespmem:s0], [sflag:$0x1], $0x80, v3, vm0, $0xb8;
	[tilespmem:$0x10100] =	vst v63  }
0x75: {  	v3 =	vld [tilespmem:$0x80];
	_ =	sdelay $0x4  }
0x76: {  	v60 =	vshll.u32 v3, $0x3  }
0x77: {  	v3 =	vand.u32 $0x7, v3;
	v4 =	vand.u32 $0xFFFFFFC0, v60  }
0x78: {  	v3 =	vor.u32 v3, v4  }
0x79: {  	v4 =	vperm.xlane v3, v0;
	_ =	sdelay $0x1  }
0x7a: {  	v4 =	vadd.s32 v1, v4;
	_ =	sdelay $0x4  }
0x7b: {  	[hbm4b:s3+s2] =	stream.indirect_vreg.scatter [tilespmem:s18], [sflag:$0x2], $0x80, v4, vm0, $0xb8;
	[tilespmem:$0x10100] =	vst v63  }
0x7c: {  	v3 =	vperm.xlane v3, v2  }
0x7d: {  	[hbm4b:s4+s2] =	stream.indirect_vreg.scatter [tilespmem:s20], [sflag:$0x2], $0x80, v4, vm0, $0xb8;
	[tilespmem:$0x10100] =	vst v63  }
0x7e: {  	v3 =	vadd.s32 v1, v3  }
0x7f: {  	[hbm4b:s5+s2] =	stream.indirect_vreg.scatter [tilespmem:s21], [sflag:$0x2], $0x80, v4, vm0, $0xb8;
	[tilespmem:$0x10100] =	vst v63  }
0x80: {  	_ = 	snop  }
0x81: {  	[hbm4b:s6+s2] =	stream.indirect_vreg.scatter [tilespmem:s22], [sflag:$0x2], $0x80, v4, vm0, $0xb8;
	[tilespmem:$0x10100] =	vst v63  }
0x82: {  	_ = 	snop  }
0x83: {  	[hbm4b:s3+s2] =	stream.indirect_vreg.scatter [tilespmem:s23], [sflag:$0x2], $0x80, v3, vm0, $0xb8;
	[tilespmem:$0x10100] =	vst v63  }
0x84: {  	_ = 	snop  }
0x85: {  	[hbm4b:s4+s2] =	stream.indirect_vreg.scatter [tilespmem:s24], [sflag:$0x2], $0x80, v3, vm0, $0xb8;
	[tilespmem:$0x10100] =	vst v63  }
0x86: {  	_ = 	snop  }
0x87: {  	[hbm4b:s5+s2] =	stream.indirect_vreg.scatter [tilespmem:s25], [sflag:$0x2], $0x80, v3, vm0, $0xb8;
	[tilespmem:$0x10100] =	vst v63  }
0x88: {  	_ = 	snop  }
0x89: {  	[hbm4b:s6+s2] =	stream.indirect_vreg.scatter [tilespmem:s26], [sflag:$0x2], $0x80, v3, vm0, $0xb8;
	[tilespmem:$0x10100] =	vst v63  }
0x8a: {  	v3 =	vld [tilespmem:$0x90];
	_ =	sdelay $0x4  }
0x8b: {  	v61 =	vshll.u32 v3, $0x3  }
0x8c: {  	v3 =	vand.u32 $0x7, v3;
	v4 =	vand.u32 $0xFFFFFFC0, v61  }
0x8d: {  	v3 =	vor.u32 v3, v4  }
0x8e: {  	v4 =	vperm.xlane v3, v0;
	_ =	sdelay $0x1  }
0x8f: {  	v4 =	vadd.s32 v1, v4;
	_ =	sdelay $0x4  }
0x90: {  	[hbm4b:s3+s2] =	stream.indirect_vreg.scatter [tilespmem:s28], [sflag:$0x2], $0x80, v4, vm0, $0xb8;
	[tilespmem:$0x10100] =	vst v63  }
0x91: {  	v3 =	vperm.xlane v3, v2  }
0x92: {  	[hbm4b:s4+s2] =	stream.indirect_vreg.scatter [tilespmem:s29], [sflag:$0x2], $0x80, v4, vm0, $0xb8;
	[tilespmem:$0x10100] =	vst v63  }
0x93: {  	v3 =	vadd.s32 v1, v3  }
0x94: {  	[hbm4b:s5+s2] =	stream.indirect_vreg.scatter [tilespmem:s30], [sflag:$0x2], $0x80, v4, vm0, $0xb8;
	[tilespmem:$0x10100] =	vst v63  }
0x95: {  	_ = 	snop  }
0x96: {  	[hbm4b:s6+s2] =	stream.indirect_vreg.scatter [tilespmem:s31], [sflag:$0x2], $0x80, v4, vm0, $0xb8;
	[tilespmem:$0x10100] =	vst v63  }
0x97: {  	_ = 	snop  }
0x98: {  	[hbm4b:s3+s2] =	stream.indirect_vreg.scatter [tilespmem:s1], [sflag:$0x2], $0x80, v3, vm0, $0xb8;
	[tilespmem:$0x10100] =	vst v63  }
0x99: {  	s20 =	simm.s32 $0x6900  }
0x9a: {  	[hbm4b:s4+s2] =	stream.indirect_vreg.scatter [tilespmem:s20], [sflag:$0x2], $0x80, v3, vm0, $0xb8;
	[tilespmem:$0x10100] =	vst v63  }
0x9b: {  	_ = 	snop  }
0x9c: {  	[hbm4b:s5+s2] =	stream.indirect_vreg.scatter [tilespmem:s10], [sflag:$0x2], $0x80, v3, vm0, $0xb8;
	[tilespmem:$0x10100] =	vst v63  }
0x9d: {  	_ = 	snop  }
0x9e: {  	[hbm4b:s6+s2] =	stream.indirect_vreg.scatter [tilespmem:s11], [sflag:$0x2], $0x80, v3, vm0, $0xb8;
	[tilespmem:$0x10100] =	vst v63  }
0x9f: {  	v3 =	vld [tilespmem:$0xA0];
	_ =	sdelay $0x4  }
0xa0: {  	v62 =	vshll.u32 v3, $0x3  }
0xa1: {  	v3 =	vand.u32 $0x7, v3;
	v4 =	vand.u32 $0xFFFFFFC0, v62  }
0xa2: {  	v3 =	vor.u32 v3, v4  }
0xa3: {  	v4 =	vperm.xlane v3, v0;
	_ =	sdelay $0x1  }
0xa4: {  	v4 =	vadd.s32 v1, v4;
	_ =	sdelay $0x4  }
0xa5: {  	[hbm4b:s3+s2] =	stream.indirect_vreg.scatter [tilespmem:s12], [sflag:$0x2], $0x80, v4, vm0, $0xb8;
	[tilespmem:$0x10100] =	vst v63  }
0xa6: {  	v3 =	vperm.xlane v3, v2  }
0xa7: {  	[hbm4b:s4+s2] =	stream.indirect_vreg.scatter [tilespmem:s13], [sflag:$0x2], $0x80, v4, vm0, $0xb8;
	[tilespmem:$0x10100] =	vst v63  }
0xa8: {  	v3 =	vadd.s32 v1, v3  }
0xa9: {  	[hbm4b:s5+s2] =	stream.indirect_vreg.scatter [tilespmem:s14], [sflag:$0x2], $0x80, v4, vm0, $0xb8;
	[tilespmem:$0x10100] =	vst v63  }
0xaa: {  	_ = 	snop  }
0xab: {  	[hbm4b:s6+s2] =	stream.indirect_vreg.scatter [tilespmem:s15], [sflag:$0x2], $0x80, v4, vm0, $0xb8;
	[tilespmem:$0x10100] =	vst v63  }
0xac: {  	_ = 	snop  }
0xad: {  	[hbm4b:s3+s2] =	stream.indirect_vreg.scatter [tilespmem:s16], [sflag:$0x2], $0x80, v3, vm0, $0xb8;
	[tilespmem:$0x10100] =	vst v63  }
0xae: {  	_ = 	snop  }
0xaf: {  	[hbm4b:s4+s2] =	stream.indirect_vreg.scatter [tilespmem:s17], [sflag:$0x2], $0x80, v3, vm0, $0xb8;
	[tilespmem:$0x10100] =	vst v63  }
0xb0: {  	_ = 	snop  }
0xb1: {  	[hbm4b:s5+s2] =	stream.indirect_vreg.scatter [tilespmem:s9], [sflag:$0x2], $0x80, v3, vm0, $0xb8;
	[tilespmem:$0x10100] =	vst v63  }
0xb2: {  	_ = 	snop  }
0xb3: {  	[hbm4b:s6+s2] =	stream.indirect_vreg.scatter [tilespmem:s19], [sflag:$0x2], $0x80, v3, vm0, $0xb8;
	[tilespmem:$0x10100] =	vst v63  }
0xb4: {  	v3 =	vld [tilespmem:$0xB0];
	_ =	sdelay $0x4  }
0xb5: {  	v63 =	vshll.u32 v3, $0x3  }
0xb6: {  	v3 =	vand.u32 $0x7, v3;
	v4 =	vand.u32 $0xFFFFFFC0, v63  }
0xb7: {  	v3 =	vor.u32 v3, v4  }
0xb8: {  	v4 =	vperm.xlane v3, v0;
	_ =	sdelay $0x1  }
0xb9: {  	v4 =	vadd.s32 v1, v4;
	_ =	sdelay $0x3  }
0xba: {  	s21 =	simm.s32 $0xC100  }
0xbb: {  	[hbm4b:s3+s2] =	stream.indirect_vreg.scatter [tilespmem:s21], [sflag:$0x2], $0x80, v4, vm0, $0xb8;
	[tilespmem:$0x10100] =	vst v63  }
0xbc: {  	s20 =	simm.s32 $0xC900;
	v3 =	vperm.xlane v3, v2  }
0xbd: {  	[hbm4b:s4+s2] =	stream.indirect_vreg.scatter [tilespmem:s20], [sflag:$0x2], $0x80, v4, vm0, $0xb8;
	[tilespmem:$0x10100] =	vst v63  }
0xbe: {  	v3 =	vadd.s32 v1, v3;
	s21 =	simm.s32 $0xD100  }
0xbf: {  	[hbm4b:s5+s2] =	stream.indirect_vreg.scatter [tilespmem:s21], [sflag:$0x2], $0x80, v4, vm0, $0xb8;
	[tilespmem:$0x10100] =	vst v63  }
0xc0: {  	s20 =	simm.s32 $0xD900  }
0xc1: {  	[hbm4b:s6+s2] =	stream.indirect_vreg.scatter [tilespmem:s20], [sflag:$0x2], $0x80, v4, vm0, $0xb8;
	[tilespmem:$0x10100] =	vst v63  }
0xc2: {  	s21 =	simm.s32 $0xE100  }
0xc3: {  	[hbm4b:s3+s2] =	stream.indirect_vreg.scatter [tilespmem:s21], [sflag:$0x2], $0x80, v3, vm0, $0xb8;
	[tilespmem:$0x10100] =	vst v63  }
0xc4: {  	s20 =	simm.s32 $0xE900  }
0xc5: {  	[hbm4b:s4+s2] =	stream.indirect_vreg.scatter [tilespmem:s20], [sflag:$0x2], $0x80, v3, vm0, $0xb8;
	[tilespmem:$0x10100] =	vst v63  }
0xc6: {  	s21 =	simm.s32 $0xF100  }
0xc7: {  	[hbm4b:s5+s2] =	stream.indirect_vreg.scatter [tilespmem:s21], [sflag:$0x2], $0x80, v3, vm0, $0xb8;
	[tilespmem:$0x10100] =	vst v63  }
0xc8: {  	s20 =	simm.s32 $0x1  }
0xc9: {  	[hbm4b:s6+s2] =	stream.indirect_vreg.scatter [tilespmem:s0], [sflag:$0x2], $0x80, v3, vm0, $0xb8;
	[tilespmem:$0x10100] =	vst v63  }
0xca: {  	p0 =	sne.s32 s7, $0x1;
	_ =	swait.ge [sflag:s20], $0x10000  }
.Ltmp0:
0xcb: {  	[sflag:s20] =	ssyncset.done $0x0;
	(pc) =	sbr.rel @p0 .LBB2_1-.Ltmp0, $4  }
0xcc: {  	s21 =	simm.s32 $0x2;
	[sflag:s20] =	ssyncadd.s32 $0xFFFF0000  }
0xcd: {  	_ =	swait.ge [sflag:s21], $0x10000  }
0xce: {  	[sflag:s21] =	ssyncset.done $0x0  }
0xcf: {  	s7 =	sadd.s32 $0xFFFFFFFF, s7;
	[sflag:s21] =	ssyncadd.s32 $0xFFFF0000  }
0xd0: {  	_ =	sfence.sel $0x180000  }
0xd1: {  	[bflag:$0x0] =	sbarrier.arrive $0xFFFF  }
0xd2: {  	_ =	strace $0x90000047  }
0xd3: {  	s0 =	stileid.u32;
	[bflag:$0x2] =	sbarrier.arrive $0xFFFF  }
0xd4: {  	p0 =	sne.s32 s0, $0x0;
	s0 =	rddreg [dreg:$0x3]  }
0xd5: {  	s0 =	sadd.s32 @!p0 $0x100000, s0  }
0xd6: {  	[sflag:s0] =	ssyncadd.tile.s32 @!p0 $0x1;
	_ =	shalt  }
.Lfunc_end2:
_tile_overlayer_lowered:
.L_overlay_start_2:
0xd7: {  	(tag) =	ssettag $0x2  }
0xd8: {  	s0 =	rddreg [dreg:$0x0];
	s2 =	stileid.u32  }
0xd9: {  	s1 =	rddreg [dreg:$0x1];
	p0 =	sne.s32 s2, $0x0  }
0xda: {  	s3 =	rddreg [dreg:$0x2];
	[bflag:$0x3] =	sbarrier.arrive $0xFFFF;
	s2 =	simm.s32 @!p0 $0x1C03  }
0xdb: {  	[timem:s3], [sflag:s2] =	dma.local @!p0 [hbm:s0], s1  }
0xdc: {  	s0 =	simm.s32 @!p0 $0x3  }
0xdd: {  	_ =	swait.ge @!p0 [sflag:s0], s1  }
0xde: {  	s1 =	ssub.s32 @!p0 $0x0, s1;
	[sflag:s0] =	ssyncset.done @!p0 $0x0  }
0xdf: {  	[sflag:s0] =	ssyncadd.s32 @!p0 s1  }
0xe0: {  	[bflag:$0x3] =	sbarrier.arrive $0xFFFF  }
0xe1: {  	_ =	shalt  }

</sc_bundles>
